<compile_context>
chip_gen: v7x
topology: tpu7x:2x2x1
jax: 0.10.2.dev20260603
libtpu: 0.0.44.dev20260713+nightly
codegen_flags: <defaults>
</compile_context>

<pallas_src>
import jax
import jax.numpy as jnp
from jax import lax
from jax.experimental import pallas as pl
from jax.experimental.pallas import tpu as pltpu
from jax.experimental.pallas import tpu_sc as plsc

_N = 16 * 512 * 512
_B = 8192
_LOGB = 13
_ROWS = 2 * _B // 128
_CROWS = _B // 128
_NC, _NS, _L = 2, 16, 16
_NW = _NC * _NS
_PER_W = _N // _NW
_CH = 4096
_ROWS_CH = 8
_N_CH = _PER_W // _CH
_GROUPS = _CH // _L



def _mm_body(p_ref, mx_ref):
    i = pl.program_id(0)
    mx = jnp.max(jnp.abs(p_ref[...]))

    @pl.when(i == 0)
    def _():
        mx_ref[...] = jnp.full((8, 128), mx, jnp.float32)

    @pl.when(i != 0)
    def _():
        mx_ref[...] = jnp.maximum(mx_ref[...], mx)


def _maxabs(pred2d):
    rows = pred2d.shape[0]
    blk = 1024
    grid = rows // blk
    return pl.pallas_call(
        _mm_body,
        grid=(grid,),
        in_specs=[pl.BlockSpec((blk, 512), lambda i: (i, 0))],
        out_specs=pl.BlockSpec((8, 128), lambda i: (0, 0)),
        out_shape=jax.ShapeDtypeStruct((8, 128), jnp.float32),
    )(pred2d)



def _hist_body(pred_hbm, lab_hbm, m_hbm, h_out,
               pb0, pb1, lb0, lb1, mb, hvm, sem0, sem1):
    wid = lax.axis_index("s") * _NC + lax.axis_index("c")
    batch = wid // 2
    row0 = (wid % 2) * 256

    @plsc.parallel_loop(0, (2 * _B) // _L, unroll=8)
    def _(j):
        z = jnp.zeros((_L,), jnp.float32)
        r = j // 8
        off = (j % 8) * _L
        hvm[r, pl.ds(off, _L)] = z

    pltpu.sync_copy(m_hbm, mb)
    m = mb[...]
    scale = (_B - 1.0) / jnp.maximum(m + m, 1e-30)
    mscale = m * scale
    nscale = -scale
    ones = jnp.full((_L,), 1.0, jnp.float32)
    c127 = jnp.full((_L,), 127, jnp.int32)

    def _start(c, pb, lb, sem):
        r = row0 + c * _ROWS_CH
        pltpu.async_copy(pred_hbm.at[batch, pl.ds(r, _ROWS_CH), :], pb, sem)
        pltpu.async_copy(lab_hbm.at[batch, pl.ds(r, _ROWS_CH), :], lb, sem)

    def _wait(c, pb, lb, sem):
        r = row0 + c * _ROWS_CH
        pltpu.make_async_copy(
            pred_hbm.at[batch, pl.ds(r, _ROWS_CH), :], pb, sem).wait()
        pltpu.make_async_copy(
            lab_hbm.at[batch, pl.ds(r, _ROWS_CH), :], lb, sem).wait()

    def _process(pb, lb):
        @plsc.parallel_loop(0, _GROUPS, unroll=16)
        def _(j):
            row = j // 32
            off = (j % 32) * _L
            p = pb[row, pl.ds(off, _L)]
            lab = lb[row, pl.ds(off, _L)]
            sscale = jnp.where(lab == 0, nscale, scale)
            t = p * sscale + mscale
            idx = t.astype(jnp.int32) + jnp.left_shift(lab, _LOGB)
            hr = jnp.right_shift(idx, 7)
            hc = jnp.bitwise_and(idx, c127)
            plsc.addupdate_scatter(hvm, [hr, hc], ones)

    _start(0, pb0, lb0, sem0)

    def pair_body(cc, carry):
        c0 = 2 * cc
        c1 = c0 + 1
        _start(c1, pb1, lb1, sem1)
        _wait(c0, pb0, lb0, sem0)
        _process(pb0, lb0)
        cn = lax.rem(c0 + 2, _N_CH)
        _start(cn, pb0, lb0, sem0)
        _wait(c1, pb1, lb1, sem1)
        _process(pb1, lb1)
        return carry

    lax.fori_loop(0, _N_CH // 2, pair_body, 0)
    _wait(0, pb0, lb0, sem0)

    pltpu.sync_copy(hvm, h_out.at[wid])


def _histogram(pred3, lab3, mv):
    mesh = plsc.VectorSubcoreMesh(core_axis_name="c", subcore_axis_name="s")
    return pl.kernel(
        _hist_body,
        mesh=mesh,
        compiler_params=pltpu.CompilerParams(
            needs_layout_passes=False, use_tc_tiling_on_sc=True),
        out_type=jax.ShapeDtypeStruct((_NW, _ROWS, 128), jnp.float32),
        scratch_types=[
            pltpu.VMEM((_ROWS_CH, 512), jnp.float32),
            pltpu.VMEM((_ROWS_CH, 512), jnp.float32),
            pltpu.VMEM((_ROWS_CH, 512), jnp.int32),
            pltpu.VMEM((_ROWS_CH, 512), jnp.int32),
            pltpu.VMEM((_L,), jnp.float32),
            pltpu.VMEM((_ROWS, 128), jnp.float32),
            pltpu.SemaphoreType.DMA,
            pltpu.SemaphoreType.DMA,
        ],
    )(pred3, lab3, mv)



def _excl_prefix(x):
    R = x.shape[0]
    inc = x
    k = 1
    while k < 128:
        shifted = jnp.concatenate(
            [jnp.zeros((R, k), jnp.float32), inc[:, : 128 - k]], axis=1)
        inc = inc + shifted
        k *= 2
    rowtot = jnp.broadcast_to(inc[:, 127:128], (R, 128))
    cumr = rowtot
    k = 1
    while k < R:
        shifted = jnp.concatenate(
            [jnp.zeros((k, 128), jnp.float32), cumr[: R - k, :]], axis=0)
        cumr = cumr + shifted
        k *= 2
    return inc - x + (cumr - rowtot)


def _f(e):
    return jnp.where(e > 0.0, e + 1.0, jnp.exp(e))


def _fin_body(h_ref, m_ref, o_ref):
    Hn = jnp.sum(h_ref[:, :_CROWS, :], axis=0)
    Hp = jnp.sum(h_ref[:, _CROWS:, :], axis=0)
    G = jnp.sum(Hp)
    M = jnp.max(m_ref[...])
    emx = 1.0 + M
    scale = (_B - 1.0) / jnp.maximum(M + M, 1e-30)
    bidx = (jax.lax.broadcasted_iota(jnp.int32, (_CROWS, 128), 0) * 128
            + jax.lax.broadcasted_iota(jnp.int32, (_CROWS, 128), 1))
    e_c = emx - (bidx.astype(jnp.float32) + 0.5) / scale
    fc = _f(e_c)
    Ppos = _excl_prefix(Hp)
    Pneg = _excl_prefix(Hn)
    u0 = G + Pneg
    pos_t = Hp * fc / jnp.maximum(u0, 1.0)
    I = G - Ppos - Hp
    neg_t = Hn * fc * I / jnp.maximum(u0 * (u0 + Hn), 1.0)
    loss = jnp.sum(pos_t) + jnp.sum(neg_t)
    btop = jnp.min(jnp.where(Hn > 0.0, bidx, jnp.int32(2 ** 30)))
    e_top = jnp.sum(jnp.where(bidx == btop, e_c, 0.0))
    loss = jnp.where(G == 0.0, _f(e_top), loss)
    o_ref[0, 0] = loss


def _finish(h3, m8):
    return pl.pallas_call(
        _fin_body,
        in_specs=[
            pl.BlockSpec(memory_space=pltpu.VMEM),
            pl.BlockSpec(memory_space=pltpu.VMEM),
        ],
        out_specs=pl.BlockSpec(memory_space=pltpu.SMEM),
        out_shape=jax.ShapeDtypeStruct((1, 1), jnp.float32),
    )(h3, m8)


def kernel(y_pred, y_true):
    lab = y_true.astype(jnp.int32)
    m8 = _maxabs(y_pred.reshape(8192, 512))
    mv = m8[0, :_L]
    h = _histogram(y_pred, lab, mv)
    out = _finish(h, m8)
    return out.reshape(())

# --- scband reference (transcript-rebuilt; emitter-appended) ---
"""Pipeline reference for scband-lovasz-loss-7438883356967 (READ-ONLY COPY).

The authoritative reference and input builder live on the scoring server;
editing this copy changes nothing except your own understanding.
"""

import jax, jax.numpy as jnp
import numpy as np


def setup_inputs(seed: int = 0) -> dict:
    key = jax.random.key(seed)
    k1, k2 = jax.random.split(key)
    y_pred = jax.random.normal(k1, (16, 512, 512), dtype=jnp.float32)
    y_true = jax.random.randint(k2, (16, 512, 512), 0, 2, dtype=jnp.int64)
    return {"y_pred": y_pred, "y_true": y_true}


def _lovasz_grad(gt_sorted):
    gts = jnp.sum(gt_sorted)
    gt_f = gt_sorted.astype(jnp.float32)
    intersection = gts - jnp.cumsum(gt_f)
    union = gts + jnp.cumsum(1.0 - gt_f)
    jaccard = 1.0 - intersection / union
    jaccard = jnp.concatenate([jaccard[:1], jaccard[1:] - jaccard[:-1]])
    return jaccard


def reference(y_pred, y_true):
    logits = y_pred.reshape(-1)
    labels = y_true.reshape(-1)
    signs = 2.0 * labels.astype(jnp.float32) - 1.0
    errors = 1.0 - logits * signs
    # descending sort
    perm = jnp.argsort(-errors)
    errors_sorted = errors[perm]
    gt_sorted = labels[perm]
    grad = jax.lax.stop_gradient(_lovasz_grad(gt_sorted))
    loss = jnp.dot(jax.nn.elu(errors_sorted) + 1.0, grad)
    return loss

if __name__ == "__main__":
    import jax
    _d = setup_inputs()
    print(jax.jit(kernel)(*tuple(_d.values())))

</pallas_src>

<mosaic_0001>
#map = affine_map<(d0, d1) -> (0, 0, 0)>
#map1 = affine_map<(d0, d1) -> (0)>
module attributes {stable_mosaic.version = 14 : i64} {
  func.func @_hist_body(%arg0: i32, %arg1: i32, %arg2: memref<16x512x512xf32, #tpu.memory_space<hbm>>, %arg3: memref<16x512x512xi32, #tpu.memory_space<hbm>>, %arg4: memref<16xf32, #tpu.memory_space<hbm>>, %arg5: memref<32x128x128xf32, #tpu.memory_space<hbm>>, %arg6: memref<8x512xf32, #tpu.memory_space<vmem>>, %arg7: memref<8x512xf32, #tpu.memory_space<vmem>>, %arg8: memref<8x512xi32, #tpu.memory_space<vmem>>, %arg9: memref<8x512xi32, #tpu.memory_space<vmem>>, %arg10: memref<16xf32, #tpu.memory_space<vmem>>, %arg11: memref<128x128xf32, #tpu.memory_space<vmem>>, %arg12: memref<!tpu.dma_semaphore, #tpu.memory_space<semaphore_mem>>, %arg13: memref<!tpu.dma_semaphore, #tpu.memory_space<semaphore_mem>>) attributes {dimension_semantics = [#tpu.dimension_semantics<core_parallel>, #tpu.dimension_semantics<subcore_parallel>], iteration_bounds = array<i64: 2, 16>, scalar_prefetch = 0 : i64, scratch_operands = 8 : i64, tpu.core_type = #tpu.core_type<sc_vector_subcore>, window_params = [{transform_indices = #map}, {transform_indices = #map}, {transform_indices = #map1}, {transform_indices = #map}]} {
    %mul3A = arith.constant 2 : i32
    %mul3A_0 = arith.muli %arg1, %mul3A : i32
    %add3A = arith.addi %mul3A_0, %arg0 : i32
    %jit3A = arith.constant 2 : i32
    %div3A = arith.divsi %add3A, %jit3A : i32
    %sign3A = arith.constant 0 : i32
    %sign3A_1 = arith.cmpi sgt, %add3A, %sign3A : i32
    %sign3A_2 = arith.extui %sign3A_1 : i1 to i32
    %sign3A_3 = arith.constant 0 : i32
    %sign3A_4 = arith.cmpi slt, %add3A, %sign3A_3 : i32
    %sign3A_5 = arith.extui %sign3A_4 : i1 to i32
    %sign3A_6 = arith.subi %sign3A_2, %sign3A_5 : i32
    %sign3A_7 = arith.constant 0 : i32
    %sign3A_8 = arith.cmpi sgt, %jit3A, %sign3A_7 : i32
    %sign3A_9 = arith.extui %sign3A_8 : i1 to i32
    %sign3A_10 = arith.constant 0 : i32
    %sign3A_11 = arith.cmpi slt, %jit3A, %sign3A_10 : i32
    %sign3A_12 = arith.extui %sign3A_11 : i1 to i32
    %sign3A_13 = arith.subi %sign3A_9, %sign3A_12 : i32
    %ne3A = arith.cmpi ne, %sign3A_6, %sign3A_13 : i32
    %rem3A = arith.remsi %add3A, %jit3A : i32
    %ne3A_14 = arith.constant 0 : i32
    %ne3A_15 = arith.cmpi ne, %rem3A, %ne3A_14 : i32
    %and3A = arith.andi %ne3A, %ne3A_15 : i1
    %sub3A = arith.constant 1 : i32
    %sub3A_16 = arith.subi %div3A, %sub3A : i32
    %select_n3A = arith.select %and3A, %sub3A_16, %div3A : i32
    %jit3A_17 = arith.constant 2 : i32
    %eq3A = arith.constant 0 : i32
    %eq3A_18 = arith.cmpi eq, %jit3A_17, %eq3A : i32
    %jit3A_19 = arith.constant 1 : i32
    %select_n3A_20 = arith.select %eq3A_18, %jit3A_19, %jit3A_17 : i32
    %rem3A_21 = arith.remsi %add3A, %select_n3A_20 : i32
    %ne3A_22 = arith.constant 0 : i32
    %ne3A_23 = arith.cmpi ne, %rem3A_21, %ne3A_22 : i32
    %lt3A = arith.constant 0 : i32
    %lt3A_24 = arith.cmpi slt, %rem3A_21, %lt3A : i32
    %lt3A_25 = arith.constant 0 : i32
    %lt3A_26 = arith.cmpi slt, %select_n3A_20, %lt3A_25 : i32
    %ne3A_27 = arith.xori %lt3A_24, %lt3A_26 : i1
    %and3A_28 = arith.andi %ne3A_27, %ne3A_23 : i1
    %add3A_29 = arith.addi %rem3A_21, %select_n3A_20 : i32
    %select_n3A_30 = arith.select %and3A_28, %add3A_29, %rem3A_21 : i32
    %mul3A_31 = arith.constant 256 : i32
    %mul3A_32 = arith.muli %select_n3A_30, %mul3A_31 : i32
    %parallel_loop3A = arith.constant 0 : i32
    %parallel_loop3A_33 = arith.constant 1024 : i32
    %parallel_loop3A_34 = arith.constant 1 : i32
    scf.for %parallel_loop3A_79 = %parallel_loop3A to %parallel_loop3A_33 step %parallel_loop3A_34  : i32 {
      %parallel_loop3A_80 = arith.constant 0.000000e+00 : f32
      %parallel_loop3A_81 = vector.broadcast %parallel_loop3A_80 : f32 to vector<16xf32>
      %parallel_loop3A_82 = arith.constant 8 : i32
      %parallel_loop3A_83 = arith.divsi %parallel_loop3A_79, %parallel_loop3A_82 : i32
      %parallel_loop3A_84 = arith.constant 0 : i32
      %parallel_loop3A_85 = arith.cmpi sgt, %parallel_loop3A_79, %parallel_loop3A_84 : i32
      %parallel_loop3A_86 = arith.extui %parallel_loop3A_85 : i1 to i32
      %parallel_loop3A_87 = arith.constant 0 : i32
      %parallel_loop3A_88 = arith.cmpi slt, %parallel_loop3A_79, %parallel_loop3A_87 : i32
      %parallel_loop3A_89 = arith.extui %parallel_loop3A_88 : i1 to i32
      %parallel_loop3A_90 = arith.subi %parallel_loop3A_86, %parallel_loop3A_89 : i32
      %parallel_loop3A_91 = arith.constant 0 : i32
      %parallel_loop3A_92 = arith.cmpi sgt, %parallel_loop3A_82, %parallel_loop3A_91 : i32
      %parallel_loop3A_93 = arith.extui %parallel_loop3A_92 : i1 to i32
      %parallel_loop3A_94 = arith.constant 0 : i32
      %parallel_loop3A_95 = arith.cmpi slt, %parallel_loop3A_82, %parallel_loop3A_94 : i32
      %parallel_loop3A_96 = arith.extui %parallel_loop3A_95 : i1 to i32
      %parallel_loop3A_97 = arith.subi %parallel_loop3A_93, %parallel_loop3A_96 : i32
      %parallel_loop3A_98 = arith.cmpi ne, %parallel_loop3A_90, %parallel_loop3A_97 : i32
      %parallel_loop3A_99 = arith.remsi %parallel_loop3A_79, %parallel_loop3A_82 : i32
      %parallel_loop3A_100 = arith.constant 0 : i32
      %parallel_loop3A_101 = arith.cmpi ne, %parallel_loop3A_99, %parallel_loop3A_100 : i32
      %parallel_loop3A_102 = arith.andi %parallel_loop3A_98, %parallel_loop3A_101 : i1
      %parallel_loop3A_103 = arith.constant 1 : i32
      %parallel_loop3A_104 = arith.subi %parallel_loop3A_83, %parallel_loop3A_103 : i32
      %parallel_loop3A_105 = arith.select %parallel_loop3A_102, %parallel_loop3A_104, %parallel_loop3A_83 : i32
      %parallel_loop3A_106 = arith.constant 8 : i32
      %parallel_loop3A_107 = arith.constant 0 : i32
      %parallel_loop3A_108 = arith.cmpi eq, %parallel_loop3A_106, %parallel_loop3A_107 : i32
      %parallel_loop3A_109 = arith.constant 1 : i32
      %parallel_loop3A_110 = arith.select %parallel_loop3A_108, %parallel_loop3A_109, %parallel_loop3A_106 : i32
      %parallel_loop3A_111 = arith.remsi %parallel_loop3A_79, %parallel_loop3A_110 : i32
      %parallel_loop3A_112 = arith.constant 0 : i32
      %parallel_loop3A_113 = arith.cmpi ne, %parallel_loop3A_111, %parallel_loop3A_112 : i32
      %parallel_loop3A_114 = arith.constant 0 : i32
      %parallel_loop3A_115 = arith.cmpi slt, %parallel_loop3A_111, %parallel_loop3A_114 : i32
      %parallel_loop3A_116 = arith.constant 0 : i32
      %parallel_loop3A_117 = arith.cmpi slt, %parallel_loop3A_110, %parallel_loop3A_116 : i32
      %parallel_loop3A_118 = arith.xori %parallel_loop3A_115, %parallel_loop3A_117 : i1
      %parallel_loop3A_119 = arith.andi %parallel_loop3A_118, %parallel_loop3A_113 : i1
      %parallel_loop3A_120 = arith.addi %parallel_loop3A_111, %parallel_loop3A_110 : i32
      %parallel_loop3A_121 = arith.select %parallel_loop3A_119, %parallel_loop3A_120, %parallel_loop3A_111 : i32
      %parallel_loop3A_122 = arith.constant 16 : i32
      %parallel_loop3A_123 = arith.muli %parallel_loop3A_121, %parallel_loop3A_122 : i32
      %parallel_loop3A_124 = arith.index_cast %parallel_loop3A_105 : i32 to index
      %parallel_loop3A_125 = arith.index_cast %parallel_loop3A_123 : i32 to index
      %parallel_loop3A_126 = tpu.vector_load %arg11[%parallel_loop3A_124, %parallel_loop3A_125] {strides = array<i32>} : memref<128x128xf32, #tpu.memory_space<vmem>>, vector<16xf32>,
      tpu.vector_store %arg11[%parallel_loop3A_124, %parallel_loop3A_125], %parallel_loop3A_81 {strides = array<i32>} : memref<128x128xf32, #tpu.memory_space<vmem>>, vector<16xf32>,
    } {sc.loop_unroll_factor = 8 : i64, sc.parallel_access}
    "tpu.region"() ({
      %run_scoped3A = tpu.sem_alloc : memref<!tpu.dma_semaphore, #tpu.memory_space<semaphore_mem>>
      tpu.enqueue_dma source(%arg4 : memref<16xf32, #tpu.memory_space<hbm>>) target(%arg10 : memref<16xf32, #tpu.memory_space<vmem>>) target_semaphore(%run_scoped3A : memref<!tpu.dma_semaphore, #tpu.memory_space<semaphore_mem>>)
      tpu.wait_dma2 semaphore(%run_scoped3A : memref<!tpu.dma_semaphore, #tpu.memory_space<semaphore_mem>>) src(%arg4 : memref<16xf32, #tpu.memory_space<hbm>>) dst(%arg10 : memref<16xf32, #tpu.memory_space<vmem>>)
      tpu.yield
    }) : () -> ()
    %get3A = arith.constant 0 : index
    %get3A_35 = tpu.vector_load %arg10[%get3A] {strides = array<i32>} : memref<16xf32, #tpu.memory_space<vmem>>, vector<16xf32>,
    %add3A_36 = arith.addf %get3A_35, %get3A_35 : vector<16xf32>
    %max3A = arith.constant 1.000000e-30 : f32
    %max3A_37 = vector.broadcast %max3A : f32 to vector<16xf32>
    %max3A_38 = arith.maximumf %add3A_36, %max3A_37 : vector<16xf32>
    %div3A_39 = arith.constant 8.191000e+03 : f32
    %div3A_40 = vector.broadcast %div3A_39 : f32 to vector<16xf32>
    %div3A_41 = arith.divf %div3A_40, %max3A_38 : vector<16xf32>
    %mul3A_42 = arith.mulf %get3A_35, %div3A_41 : vector<16xf32>
    %neg3A = arith.constant 0.000000e+00 : f32
    %neg3A_43 = vector.broadcast %neg3A : f32 to vector<16xf32>
    %neg3A_44 = arith.subf %neg3A_43, %div3A_41 : vector<16xf32>
    %broadcast_in_dim3A = arith.constant 1.000000e+00 : f32
    %broadcast_in_dim3A_45 = vector.broadcast %broadcast_in_dim3A : f32 to vector<16xf32>
    %broadcast_in_dim3A_46 = arith.constant 127 : i32
    %broadcast_in_dim3A_47 = vector.broadcast %broadcast_in_dim3A_46 : i32 to vector<16xi32>
    %add3A_48 = arith.constant 0 : i32
    %add3A_49 = arith.addi %mul3A_32, %add3A_48 : i32
    %dma_start3A = arith.constant 0 : i32
    %dma_start3A_50 = tpu.memref_slice %arg2[%select_n3A, %add3A_49, %dma_start3A] : memref<16x512x512xf32, #tpu.memory_space<hbm>> -> memref<1x8x512xf32, #tpu.memory_space<hbm>>
    %dma_start3A_51 = tpu.memref_squeeze %dma_start3A_50 : memref<1x8x512xf32, #tpu.memory_space<hbm>> -> memref<8x512xf32, #tpu.memory_space<hbm>>
    %dma_start3A_52 = arith.constant 0 : i32
    %dma_start3A_53 = tpu.memref_slice %arg2[%select_n3A, %add3A_49, %dma_start3A_52] : memref<16x512x512xf32, #tpu.memory_space<hbm>> -> memref<1x8x512xf32, #tpu.memory_space<hbm>>
    %dma_start3A_54 = tpu.memref_squeeze %dma_start3A_53 : memref<1x8x512xf32, #tpu.memory_space<hbm>> -> memref<8x512xf32, #tpu.memory_space<hbm>>
    tpu.enqueue_dma source(%dma_start3A_54 : memref<8x512xf32, #tpu.memory_space<hbm>>) target(%arg6 : memref<8x512xf32, #tpu.memory_space<vmem>>) target_semaphore(%arg12 : memref<!tpu.dma_semaphore, #tpu.memory_space<semaphore_mem>>)
    %dma_start3A_55 = arith.constant 0 : i32
    %dma_start3A_56 = tpu.memref_slice %arg3[%select_n3A, %add3A_49, %dma_start3A_55] : memref<16x512x512xi32, #tpu.memory_space<hbm>> -> memref<1x8x512xi32, #tpu.memory_space<hbm>>
    %dma_start3A_57 = tpu.memref_squeeze %dma_start3A_56 : memref<1x8x512xi32, #tpu.memory_space<hbm>> -> memref<8x512xi32, #tpu.memory_space<hbm>>
    %dma_start3A_58 = arith.constant 0 : i32
    %dma_start3A_59 = tpu.memref_slice %arg3[%select_n3A, %add3A_49, %dma_start3A_58] : memref<16x512x512xi32, #tpu.memory_space<hbm>> -> memref<1x8x512xi32, #tpu.memory_space<hbm>>
    %dma_start3A_60 = tpu.memref_squeeze %dma_start3A_59 : memref<1x8x512xi32, #tpu.memory_space<hbm>> -> memref<8x512xi32, #tpu.memory_space<hbm>>
    tpu.enqueue_dma source(%dma_start3A_60 : memref<8x512xi32, #tpu.memory_space<hbm>>) target(%arg8 : memref<8x512xi32, #tpu.memory_space<vmem>>) target_semaphore(%arg12 : memref<!tpu.dma_semaphore, #tpu.memory_space<semaphore_mem>>)
    %scan3A = arith.constant 0 : i32
    %scan3A_61 = arith.constant 0 : i32
    %scan3A_62 = arith.constant 16 : i32
    %scan3A_63 = arith.addi %scan3A_61, %scan3A_62 : i32
    %scan3A_64 = arith.constant 1 : i32
    scf.for %scan3A_79 = %scan3A_61 to %scan3A_63 step %scan3A_64  : i32 {
      %mul3A_80 = arith.constant 2 : i32
      %mul3A_81 = arith.muli %mul3A_80, %scan3A_79 : i32
      %add3A_82 = arith.constant 1 : i32
      %add3A_83 = arith.addi %mul3A_81, %add3A_82 : i32
      %mul3A_84 = arith.constant 8 : i32
      %mul3A_85 = arith.muli %add3A_83, %mul3A_84 : i32
      %add3A_86 = arith.addi %mul3A_32, %mul3A_85 : i32
      %dma_start3A_87 = arith.constant 0 : i32
      %dma_start3A_88 = tpu.memref_slice %arg2[%select_n3A, %add3A_86, %dma_start3A_87] : memref<16x512x512xf32, #tpu.memory_space<hbm>> -> memref<1x8x512xf32, #tpu.memory_space<hbm>>
      %dma_start3A_89 = tpu.memref_squeeze %dma_start3A_88 : memref<1x8x512xf32, #tpu.memory_space<hbm>> -> memref<8x512xf32, #tpu.memory_space<hbm>>
      %dma_start3A_90 = arith.constant 0 : i32
      %dma_start3A_91 = tpu.memref_slice %arg2[%select_n3A, %add3A_86, %dma_start3A_90] : memref<16x512x512xf32, #tpu.memory_space<hbm>> -> memref<1x8x512xf32, #tpu.memory_space<hbm>>
      %dma_start3A_92 = tpu.memref_squeeze %dma_start3A_91 : memref<1x8x512xf32, #tpu.memory_space<hbm>> -> memref<8x512xf32, #tpu.memory_space<hbm>>
      tpu.enqueue_dma source(%dma_start3A_92 : memref<8x512xf32, #tpu.memory_space<hbm>>) target(%arg7 : memref<8x512xf32, #tpu.memory_space<vmem>>) target_semaphore(%arg13 : memref<!tpu.dma_semaphore, #tpu.memory_space<semaphore_mem>>)
      %dma_start3A_93 = arith.constant 0 : i32
      %dma_start3A_94 = tpu.memref_slice %arg3[%select_n3A, %add3A_86, %dma_start3A_93] : memref<16x512x512xi32, #tpu.memory_space<hbm>> -> memref<1x8x512xi32, #tpu.memory_space<hbm>>
      %dma_start3A_95 = tpu.memref_squeeze %dma_start3A_94 : memref<1x8x512xi32, #tpu.memory_space<hbm>> -> memref<8x512xi32, #tpu.memory_space<hbm>>
      %dma_start3A_96 = arith.constant 0 : i32
      %dma_start3A_97 = tpu.memref_slice %arg3[%select_n3A, %add3A_86, %dma_start3A_96] : memref<16x512x512xi32, #tpu.memory_space<hbm>> -> memref<1x8x512xi32, #tpu.memory_space<hbm>>
      %dma_start3A_98 = tpu.memref_squeeze %dma_start3A_97 : memref<1x8x512xi32, #tpu.memory_space<hbm>> -> memref<8x512xi32, #tpu.memory_space<hbm>>
      tpu.enqueue_dma source(%dma_start3A_98 : memref<8x512xi32, #tpu.memory_space<hbm>>) target(%arg9 : memref<8x512xi32, #tpu.memory_space<vmem>>) target_semaphore(%arg13 : memref<!tpu.dma_semaphore, #tpu.memory_space<semaphore_mem>>)
      %mul3A_99 = arith.constant 8 : i32
      %mul3A_100 = arith.muli %mul3A_81, %mul3A_99 : i32
      %add3A_101 = arith.addi %mul3A_32, %mul3A_100 : i32
      %dma_wait3A_102 = arith.constant 0 : i32
      %dma_wait3A_103 = tpu.memref_slice %arg2[%select_n3A, %add3A_101, %dma_wait3A_102] : memref<16x512x512xf32, #tpu.memory_space<hbm>> -> memref<1x8x512xf32, #tpu.memory_space<hbm>>
      %dma_wait3A_104 = tpu.memref_squeeze %dma_wait3A_103 : memref<1x8x512xf32, #tpu.memory_space<hbm>> -> memref<8x512xf32, #tpu.memory_space<hbm>>
      %dma_wait3A_105 = arith.constant 0 : i32
      %dma_wait3A_106 = tpu.memref_slice %arg2[%select_n3A, %add3A_101, %dma_wait3A_105] : memref<16x512x512xf32, #tpu.memory_space<hbm>> -> memref<1x8x512xf32, #tpu.memory_space<hbm>>
      %dma_wait3A_107 = tpu.memref_squeeze %dma_wait3A_106 : memref<1x8x512xf32, #tpu.memory_space<hbm>> -> memref<8x512xf32, #tpu.memory_space<hbm>>
      tpu.wait_dma2 semaphore(%arg12 : memref<!tpu.dma_semaphore, #tpu.memory_space<semaphore_mem>>) src(%dma_wait3A_107 : memref<8x512xf32, #tpu.memory_space<hbm>>) dst(%arg6 : memref<8x512xf32, #tpu.memory_space<vmem>>)
      %dma_wait3A_108 = arith.constant 0 : i32
      %dma_wait3A_109 = tpu.memref_slice %arg3[%select_n3A, %add3A_101, %dma_wait3A_108] : memref<16x512x512xi32, #tpu.memory_space<hbm>> -> memref<1x8x512xi32, #tpu.memory_space<hbm>>
      %dma_wait3A_110 = tpu.memref_squeeze %dma_wait3A_109 : memref<1x8x512xi32, #tpu.memory_space<hbm>> -> memref<8x512xi32, #tpu.memory_space<hbm>>
      %dma_wait3A_111 = arith.constant 0 : i32
      %dma_wait3A_112 = tpu.memref_slice %arg3[%select_n3A, %add3A_101, %dma_wait3A_111] : memref<16x512x512xi32, #tpu.memory_space<hbm>> -> memref<1x8x512xi32, #tpu.memory_space<hbm>>
      %dma_wait3A_113 = tpu.memref_squeeze %dma_wait3A_112 : memref<1x8x512xi32, #tpu.memory_space<hbm>> -> memref<8x512xi32, #tpu.memory_space<hbm>>
      tpu.wait_dma2 semaphore(%arg12 : memref<!tpu.dma_semaphore, #tpu.memory_space<semaphore_mem>>) src(%dma_wait3A_113 : memref<8x512xi32, #tpu.memory_space<hbm>>) dst(%arg8 : memref<8x512xi32, #tpu.memory_space<vmem>>)
      %parallel_loop3A_114 = arith.constant 0 : i32
      %parallel_loop3A_115 = arith.constant 256 : i32
      %parallel_loop3A_116 = arith.constant 1 : i32
      scf.for %parallel_loop3A_154 = %parallel_loop3A_114 to %parallel_loop3A_115 step %parallel_loop3A_116  : i32 {
        %parallel_loop3A_155 = arith.constant 32 : i32
        %parallel_loop3A_156 = arith.divsi %parallel_loop3A_154, %parallel_loop3A_155 : i32
        %parallel_loop3A_157 = arith.constant 0 : i32
        %parallel_loop3A_158 = arith.cmpi sgt, %parallel_loop3A_154, %parallel_loop3A_157 : i32
        %parallel_loop3A_159 = arith.extui %parallel_loop3A_158 : i1 to i32
        %parallel_loop3A_160 = arith.constant 0 : i32
        %parallel_loop3A_161 = arith.cmpi slt, %parallel_loop3A_154, %parallel_loop3A_160 : i32
        %parallel_loop3A_162 = arith.extui %parallel_loop3A_161 : i1 to i32
        %parallel_loop3A_163 = arith.subi %parallel_loop3A_159, %parallel_loop3A_162 : i32
        %parallel_loop3A_164 = arith.constant 0 : i32
        %parallel_loop3A_165 = arith.cmpi sgt, %parallel_loop3A_155, %parallel_loop3A_164 : i32
        %parallel_loop3A_166 = arith.extui %parallel_loop3A_165 : i1 to i32
        %parallel_loop3A_167 = arith.constant 0 : i32
        %parallel_loop3A_168 = arith.cmpi slt, %parallel_loop3A_155, %parallel_loop3A_167 : i32
        %parallel_loop3A_169 = arith.extui %parallel_loop3A_168 : i1 to i32
        %parallel_loop3A_170 = arith.subi %parallel_loop3A_166, %parallel_loop3A_169 : i32
        %parallel_loop3A_171 = arith.cmpi ne, %parallel_loop3A_163, %parallel_loop3A_170 : i32
        %parallel_loop3A_172 = arith.remsi %parallel_loop3A_154, %parallel_loop3A_155 : i32
        %parallel_loop3A_173 = arith.constant 0 : i32
        %parallel_loop3A_174 = arith.cmpi ne, %parallel_loop3A_172, %parallel_loop3A_173 : i32
        %parallel_loop3A_175 = arith.andi %parallel_loop3A_171, %parallel_loop3A_174 : i1
        %parallel_loop3A_176 = arith.constant 1 : i32
        %parallel_loop3A_177 = arith.subi %parallel_loop3A_156, %parallel_loop3A_176 : i32
        %parallel_loop3A_178 = arith.select %parallel_loop3A_175, %parallel_loop3A_177, %parallel_loop3A_156 : i32
        %parallel_loop3A_179 = arith.constant 32 : i32
        %parallel_loop3A_180 = arith.constant 0 : i32
        %parallel_loop3A_181 = arith.cmpi eq, %parallel_loop3A_179, %parallel_loop3A_180 : i32
        %parallel_loop3A_182 = arith.constant 1 : i32
        %parallel_loop3A_183 = arith.select %parallel_loop3A_181, %parallel_loop3A_182, %parallel_loop3A_179 : i32
        %parallel_loop3A_184 = arith.remsi %parallel_loop3A_154, %parallel_loop3A_183 : i32
        %parallel_loop3A_185 = arith.constant 0 : i32
        %parallel_loop3A_186 = arith.cmpi ne, %parallel_loop3A_184, %parallel_loop3A_185 : i32
        %parallel_loop3A_187 = arith.constant 0 : i32
        %parallel_loop3A_188 = arith.cmpi slt, %parallel_loop3A_184, %parallel_loop3A_187 : i32
        %parallel_loop3A_189 = arith.constant 0 : i32
        %parallel_loop3A_190 = arith.cmpi slt, %parallel_loop3A_183, %parallel_loop3A_189 : i32
        %parallel_loop3A_191 = arith.xori %parallel_loop3A_188, %parallel_loop3A_190 : i1
        %parallel_loop3A_192 = arith.andi %parallel_loop3A_191, %parallel_loop3A_186 : i1
        %parallel_loop3A_193 = arith.addi %parallel_loop3A_184, %parallel_loop3A_183 : i32
        %parallel_loop3A_194 = arith.select %parallel_loop3A_192, %parallel_loop3A_193, %parallel_loop3A_184 : i32
        %parallel_loop3A_195 = arith.constant 16 : i32
        %parallel_loop3A_196 = arith.muli %parallel_loop3A_194, %parallel_loop3A_195 : i32
        %parallel_loop3A_197 = arith.index_cast %parallel_loop3A_178 : i32 to index
        %parallel_loop3A_198 = arith.index_cast %parallel_loop3A_196 : i32 to index
        %parallel_loop3A_199 = tpu.vector_load %arg6[%parallel_loop3A_197, %parallel_loop3A_198] {strides = array<i32>} : memref<8x512xf32, #tpu.memory_space<vmem>>, vector<16xf32>,
        %parallel_loop3A_200 = arith.index_cast %parallel_loop3A_178 : i32 to index
        %parallel_loop3A_201 = arith.index_cast %parallel_loop3A_196 : i32 to index
        %parallel_loop3A_202 = tpu.vector_load %arg8[%parallel_loop3A_200, %parallel_loop3A_201] {strides = array<i32>} : memref<8x512xi32, #tpu.memory_space<vmem>>, vector<16xi32>,
        %parallel_loop3A_203 = arith.constant 0 : i32
        %parallel_loop3A_204 = vector.broadcast %parallel_loop3A_203 : i32 to vector<16xi32>
        %parallel_loop3A_205 = arith.cmpi eq, %parallel_loop3A_202, %parallel_loop3A_204 : vector<16xi32>
        %parallel_loop3A_206 = arith.select %parallel_loop3A_205, %neg3A_44, %div3A_41 : vector<16xi1>, vector<16xf32>
        %parallel_loop3A_207 = arith.mulf %parallel_loop3A_199, %parallel_loop3A_206 : vector<16xf32>
        %parallel_loop3A_208 = arith.addf %parallel_loop3A_207, %mul3A_42 : vector<16xf32>
        %parallel_loop3A_209 = arith.fptosi %parallel_loop3A_208 : vector<16xf32> to vector<16xi32>
        %parallel_loop3A_210 = arith.constant 13 : i32
        %parallel_loop3A_211 = vector.broadcast %parallel_loop3A_210 : i32 to vector<16xi32>
        %parallel_loop3A_212 = arith.shli %parallel_loop3A_202, %parallel_loop3A_211 : vector<16xi32>
        %parallel_loop3A_213 = arith.addi %parallel_loop3A_209, %parallel_loop3A_212 : vector<16xi32>
        %parallel_loop3A_214 = arith.constant 7 : i32
        %parallel_loop3A_215 = vector.broadcast %parallel_loop3A_214 : i32 to vector<16xi32>
        %parallel_loop3A_216 = arith.shrsi %parallel_loop3A_213, %parallel_loop3A_215 : vector<16xi32>
        %parallel_loop3A_217 = arith.andi %parallel_loop3A_213, %broadcast_in_dim3A_47 : vector<16xi32>
        tpu.vector_store_idx %arg11[%parallel_loop3A_216, %parallel_loop3A_217], %broadcast_in_dim3A_45 {add = true} : memref<128x128xf32, #tpu.memory_space<vmem>>[vector<16xi32>, vector<16xi32>], vector<16xf32>,
      } {sc.loop_unroll_factor = 16 : i64, sc.parallel_access}
      %add3A_117 = arith.constant 2 : i32
      %add3A_118 = arith.addi %mul3A_81, %add3A_117 : i32
      %rem3A_119 = arith.constant 32 : i32
      %rem3A_120 = arith.remsi %add3A_118, %rem3A_119 : i32
      %mul3A_121 = arith.constant 8 : i32
      %mul3A_122 = arith.muli %rem3A_120, %mul3A_121 : i32
      %add3A_123 = arith.addi %mul3A_32, %mul3A_122 : i32
      %dma_start3A_124 = arith.constant 0 : i32
      %dma_start3A_125 = tpu.memref_slice %arg2[%select_n3A, %add3A_123, %dma_start3A_124] : memref<16x512x512xf32, #tpu.memory_space<hbm>> -> memref<1x8x512xf32, #tpu.memory_space<hbm>>
      %dma_start3A_126 = tpu.memref_squeeze %dma_start3A_125 : memref<1x8x512xf32, #tpu.memory_space<hbm>> -> memref<8x512xf32, #tpu.memory_space<hbm>>
      %dma_start3A_127 = arith.constant 0 : i32
      %dma_start3A_128 = tpu.memref_slice %arg2[%select_n3A, %add3A_123, %dma_start3A_127] : memref<16x512x512xf32, #tpu.memory_space<hbm>> -> memref<1x8x512xf32, #tpu.memory_space<hbm>>
      %dma_start3A_129 = tpu.memref_squeeze %dma_start3A_128 : memref<1x8x512xf32, #tpu.memory_space<hbm>> -> memref<8x512xf32, #tpu.memory_space<hbm>>
      tpu.enqueue_dma source(%dma_start3A_129 : memref<8x512xf32, #tpu.memory_space<hbm>>) target(%arg6 : memref<8x512xf32, #tpu.memory_space<vmem>>) target_semaphore(%arg12 : memref<!tpu.dma_semaphore, #tpu.memory_space<semaphore_mem>>)
      %dma_start3A_130 = arith.constant 0 : i32
      %dma_start3A_131 = tpu.memref_slice %arg3[%select_n3A, %add3A_123, %dma_start3A_130] : memref<16x512x512xi32, #tpu.memory_space<hbm>> -> memref<1x8x512xi32, #tpu.memory_space<hbm>>
      %dma_start3A_132 = tpu.memref_squeeze %dma_start3A_131 : memref<1x8x512xi32, #tpu.memory_space<hbm>> -> memref<8x512xi32, #tpu.memory_space<hbm>>
      %dma_start3A_133 = arith.constant 0 : i32
      %dma_start3A_134 = tpu.memref_slice %arg3[%select_n3A, %add3A_123, %dma_start3A_133] : memref<16x512x512xi32, #tpu.memory_space<hbm>> -> memref<1x8x512xi32, #tpu.memory_space<hbm>>
      %dma_start3A_135 = tpu.memref_squeeze %dma_start3A_134 : memref<1x8x512xi32, #tpu.memory_space<hbm>> -> memref<8x512xi32, #tpu.memory_space<hbm>>
      tpu.enqueue_dma source(%dma_start3A_135 : memref<8x512xi32, #tpu.memory_space<hbm>>) target(%arg8 : memref<8x512xi32, #tpu.memory_space<vmem>>) target_semaphore(%arg12 : memref<!tpu.dma_semaphore, #tpu.memory_space<semaphore_mem>>)
      %mul3A_136 = arith.constant 8 : i32
      %mul3A_137 = arith.muli %add3A_83, %mul3A_136 : i32
      %add3A_138 = arith.addi %mul3A_32, %mul3A_137 : i32
      %dma_wait3A_139 = arith.constant 0 : i32
      %dma_wait3A_140 = tpu.memref_slice %arg2[%select_n3A, %add3A_138, %dma_wait3A_139] : memref<16x512x512xf32, #tpu.memory_space<hbm>> -> memref<1x8x512xf32, #tpu.memory_space<hbm>>
      %dma_wait3A_141 = tpu.memref_squeeze %dma_wait3A_140 : memref<1x8x512xf32, #tpu.memory_space<hbm>> -> memref<8x512xf32, #tpu.memory_space<hbm>>
      %dma_wait3A_142 = arith.constant 0 : i32
      %dma_wait3A_143 = tpu.memref_slice %arg2[%select_n3A, %add3A_138, %dma_wait3A_142] : memref<16x512x512xf32, #tpu.memory_space<hbm>> -> memref<1x8x512xf32, #tpu.memory_space<hbm>>
      %dma_wait3A_144 = tpu.memref_squeeze %dma_wait3A_143 : memref<1x8x512xf32, #tpu.memory_space<hbm>> -> memref<8x512xf32, #tpu.memory_space<hbm>>
      tpu.wait_dma2 semaphore(%arg13 : memref<!tpu.dma_semaphore, #tpu.memory_space<semaphore_mem>>) src(%dma_wait3A_144 : memref<8x512xf32, #tpu.memory_space<hbm>>) dst(%arg7 : memref<8x512xf32, #tpu.memory_space<vmem>>)
      %dma_wait3A_145 = arith.constant 0 : i32
      %dma_wait3A_146 = tpu.memref_slice %arg3[%select_n3A, %add3A_138, %dma_wait3A_145] : memref<16x512x512xi32, #tpu.memory_space<hbm>> -> memref<1x8x512xi32, #tpu.memory_space<hbm>>
      %dma_wait3A_147 = tpu.memref_squeeze %dma_wait3A_146 : memref<1x8x512xi32, #tpu.memory_space<hbm>> -> memref<8x512xi32, #tpu.memory_space<hbm>>
      %dma_wait3A_148 = arith.constant 0 : i32
      %dma_wait3A_149 = tpu.memref_slice %arg3[%select_n3A, %add3A_138, %dma_wait3A_148] : memref<16x512x512xi32, #tpu.memory_space<hbm>> -> memref<1x8x512xi32, #tpu.memory_space<hbm>>
      %dma_wait3A_150 = tpu.memref_squeeze %dma_wait3A_149 : memref<1x8x512xi32, #tpu.memory_space<hbm>> -> memref<8x512xi32, #tpu.memory_space<hbm>>
      tpu.wait_dma2 semaphore(%arg13 : memref<!tpu.dma_semaphore, #tpu.memory_space<semaphore_mem>>) src(%dma_wait3A_150 : memref<8x512xi32, #tpu.memory_space<hbm>>) dst(%arg9 : memref<8x512xi32, #tpu.memory_space<vmem>>)
      %parallel_loop3A_151 = arith.constant 0 : i32
      %parallel_loop3A_152 = arith.constant 256 : i32
      %parallel_loop3A_153 = arith.constant 1 : i32
      scf.for %parallel_loop3A_154 = %parallel_loop3A_151 to %parallel_loop3A_152 step %parallel_loop3A_153  : i32 {
        %parallel_loop3A_155 = arith.constant 32 : i32
        %parallel_loop3A_156 = arith.divsi %parallel_loop3A_154, %parallel_loop3A_155 : i32
        %parallel_loop3A_157 = arith.constant 0 : i32
        %parallel_loop3A_158 = arith.cmpi sgt, %parallel_loop3A_154, %parallel_loop3A_157 : i32
        %parallel_loop3A_159 = arith.extui %parallel_loop3A_158 : i1 to i32
        %parallel_loop3A_160 = arith.constant 0 : i32
        %parallel_loop3A_161 = arith.cmpi slt, %parallel_loop3A_154, %parallel_loop3A_160 : i32
        %parallel_loop3A_162 = arith.extui %parallel_loop3A_161 : i1 to i32
        %parallel_loop3A_163 = arith.subi %parallel_loop3A_159, %parallel_loop3A_162 : i32
        %parallel_loop3A_164 = arith.constant 0 : i32
        %parallel_loop3A_165 = arith.cmpi sgt, %parallel_loop3A_155, %parallel_loop3A_164 : i32
        %parallel_loop3A_166 = arith.extui %parallel_loop3A_165 : i1 to i32
        %parallel_loop3A_167 = arith.constant 0 : i32
        %parallel_loop3A_168 = arith.cmpi slt, %parallel_loop3A_155, %parallel_loop3A_167 : i32
        %parallel_loop3A_169 = arith.extui %parallel_loop3A_168 : i1 to i32
        %parallel_loop3A_170 = arith.subi %parallel_loop3A_166, %parallel_loop3A_169 : i32
        %parallel_loop3A_171 = arith.cmpi ne, %parallel_loop3A_163, %parallel_loop3A_170 : i32
        %parallel_loop3A_172 = arith.remsi %parallel_loop3A_154, %parallel_loop3A_155 : i32
        %parallel_loop3A_173 = arith.constant 0 : i32
        %parallel_loop3A_174 = arith.cmpi ne, %parallel_loop3A_172, %parallel_loop3A_173 : i32
        %parallel_loop3A_175 = arith.andi %parallel_loop3A_171, %parallel_loop3A_174 : i1
        %parallel_loop3A_176 = arith.constant 1 : i32
        %parallel_loop3A_177 = arith.subi %parallel_loop3A_156, %parallel_loop3A_176 : i32
        %parallel_loop3A_178 = arith.select %parallel_loop3A_175, %parallel_loop3A_177, %parallel_loop3A_156 : i32
        %parallel_loop3A_179 = arith.constant 32 : i32
        %parallel_loop3A_180 = arith.constant 0 : i32
        %parallel_loop3A_181 = arith.cmpi eq, %parallel_loop3A_179, %parallel_loop3A_180 : i32
        %parallel_loop3A_182 = arith.constant 1 : i32
        %parallel_loop3A_183 = arith.select %parallel_loop3A_181, %parallel_loop3A_182, %parallel_loop3A_179 : i32
        %parallel_loop3A_184 = arith.remsi %parallel_loop3A_154, %parallel_loop3A_183 : i32
        %parallel_loop3A_185 = arith.constant 0 : i32
        %parallel_loop3A_186 = arith.cmpi ne, %parallel_loop3A_184, %parallel_loop3A_185 : i32
        %parallel_loop3A_187 = arith.constant 0 : i32
        %parallel_loop3A_188 = arith.cmpi slt, %parallel_loop3A_184, %parallel_loop3A_187 : i32
        %parallel_loop3A_189 = arith.constant 0 : i32
        %parallel_loop3A_190 = arith.cmpi slt, %parallel_loop3A_183, %parallel_loop3A_189 : i32
        %parallel_loop3A_191 = arith.xori %parallel_loop3A_188, %parallel_loop3A_190 : i1
        %parallel_loop3A_192 = arith.andi %parallel_loop3A_191, %parallel_loop3A_186 : i1
        %parallel_loop3A_193 = arith.addi %parallel_loop3A_184, %parallel_loop3A_183 : i32
        %parallel_loop3A_194 = arith.select %parallel_loop3A_192, %parallel_loop3A_193, %parallel_loop3A_184 : i32
        %parallel_loop3A_195 = arith.constant 16 : i32
        %parallel_loop3A_196 = arith.muli %parallel_loop3A_194, %parallel_loop3A_195 : i32
        %parallel_loop3A_197 = arith.index_cast %parallel_loop3A_178 : i32 to index
        %parallel_loop3A_198 = arith.index_cast %parallel_loop3A_196 : i32 to index
        %parallel_loop3A_199 = tpu.vector_load %arg7[%parallel_loop3A_197, %parallel_loop3A_198] {strides = array<i32>} : memref<8x512xf32, #tpu.memory_space<vmem>>, vector<16xf32>,
        %parallel_loop3A_200 = arith.index_cast %parallel_loop3A_178 : i32 to index
        %parallel_loop3A_201 = arith.index_cast %parallel_loop3A_196 : i32 to index
        %parallel_loop3A_202 = tpu.vector_load %arg9[%parallel_loop3A_200, %parallel_loop3A_201] {strides = array<i32>} : memref<8x512xi32, #tpu.memory_space<vmem>>, vector<16xi32>,
        %parallel_loop3A_203 = arith.constant 0 : i32
        %parallel_loop3A_204 = vector.broadcast %parallel_loop3A_203 : i32 to vector<16xi32>
        %parallel_loop3A_205 = arith.cmpi eq, %parallel_loop3A_202, %parallel_loop3A_204 : vector<16xi32>
        %parallel_loop3A_206 = arith.select %parallel_loop3A_205, %neg3A_44, %div3A_41 : vector<16xi1>, vector<16xf32>
        %parallel_loop3A_207 = arith.mulf %parallel_loop3A_199, %parallel_loop3A_206 : vector<16xf32>
        %parallel_loop3A_208 = arith.addf %parallel_loop3A_207, %mul3A_42 : vector<16xf32>
        %parallel_loop3A_209 = arith.fptosi %parallel_loop3A_208 : vector<16xf32> to vector<16xi32>
        %parallel_loop3A_210 = arith.constant 13 : i32
        %parallel_loop3A_211 = vector.broadcast %parallel_loop3A_210 : i32 to vector<16xi32>
        %parallel_loop3A_212 = arith.shli %parallel_loop3A_202, %parallel_loop3A_211 : vector<16xi32>
        %parallel_loop3A_213 = arith.addi %parallel_loop3A_209, %parallel_loop3A_212 : vector<16xi32>
        %parallel_loop3A_214 = arith.constant 7 : i32
        %parallel_loop3A_215 = vector.broadcast %parallel_loop3A_214 : i32 to vector<16xi32>
        %parallel_loop3A_216 = arith.shrsi %parallel_loop3A_213, %parallel_loop3A_215 : vector<16xi32>
        %parallel_loop3A_217 = arith.andi %parallel_loop3A_213, %broadcast_in_dim3A_47 : vector<16xi32>
        tpu.vector_store_idx %arg11[%parallel_loop3A_216, %parallel_loop3A_217], %broadcast_in_dim3A_45 {add = true} : memref<128x128xf32, #tpu.memory_space<vmem>>[vector<16xi32>, vector<16xi32>], vector<16xf32>,
      } {sc.loop_unroll_factor = 16 : i64, sc.parallel_access}
    }
    %scan3A_65 = arith.constant 16 : i32
    %add3A_66 = arith.constant 0 : i32
    %add3A_67 = arith.addi %mul3A_32, %add3A_66 : i32
    %dma_wait3A = arith.constant 0 : i32
    %dma_wait3A_68 = tpu.memref_slice %arg2[%select_n3A, %add3A_67, %dma_wait3A] : memref<16x512x512xf32, #tpu.memory_space<hbm>> -> memref<1x8x512xf32, #tpu.memory_space<hbm>>
    %dma_wait3A_69 = tpu.memref_squeeze %dma_wait3A_68 : memref<1x8x512xf32, #tpu.memory_space<hbm>> -> memref<8x512xf32, #tpu.memory_space<hbm>>
    %dma_wait3A_70 = arith.constant 0 : i32
    %dma_wait3A_71 = tpu.memref_slice %arg2[%select_n3A, %add3A_67, %dma_wait3A_70] : memref<16x512x512xf32, #tpu.memory_space<hbm>> -> memref<1x8x512xf32, #tpu.memory_space<hbm>>
    %dma_wait3A_72 = tpu.memref_squeeze %dma_wait3A_71 : memref<1x8x512xf32, #tpu.memory_space<hbm>> -> memref<8x512xf32, #tpu.memory_space<hbm>>
    tpu.wait_dma2 semaphore(%arg12 : memref<!tpu.dma_semaphore, #tpu.memory_space<semaphore_mem>>) src(%dma_wait3A_72 : memref<8x512xf32, #tpu.memory_space<hbm>>) dst(%arg6 : memref<8x512xf32, #tpu.memory_space<vmem>>)
    %dma_wait3A_73 = arith.constant 0 : i32
    %dma_wait3A_74 = tpu.memref_slice %arg3[%select_n3A, %add3A_67, %dma_wait3A_73] : memref<16x512x512xi32, #tpu.memory_space<hbm>> -> memref<1x8x512xi32, #tpu.memory_space<hbm>>
    %dma_wait3A_75 = tpu.memref_squeeze %dma_wait3A_74 : memref<1x8x512xi32, #tpu.memory_space<hbm>> -> memref<8x512xi32, #tpu.memory_space<hbm>>
    %dma_wait3A_76 = arith.constant 0 : i32
    %dma_wait3A_77 = tpu.memref_slice %arg3[%select_n3A, %add3A_67, %dma_wait3A_76] : memref<16x512x512xi32, #tpu.memory_space<hbm>> -> memref<1x8x512xi32, #tpu.memory_space<hbm>>
    %dma_wait3A_78 = tpu.memref_squeeze %dma_wait3A_77 : memref<1x8x512xi32, #tpu.memory_space<hbm>> -> memref<8x512xi32, #tpu.memory_space<hbm>>
    tpu.wait_dma2 semaphore(%arg12 : memref<!tpu.dma_semaphore, #tpu.memory_space<semaphore_mem>>) src(%dma_wait3A_78 : memref<8x512xi32, #tpu.memory_space<hbm>>) dst(%arg8 : memref<8x512xi32, #tpu.memory_space<vmem>>)
    "tpu.region"() ({
      %run_scoped3A = tpu.sem_alloc : memref<!tpu.dma_semaphore, #tpu.memory_space<semaphore_mem>>
      %dma_start3A_79 = arith.constant 0 : i32
      %dma_start3A_80 = arith.constant 0 : i32
      %dma_start3A_81 = tpu.memref_slice %arg5[%add3A, %dma_start3A_79, %dma_start3A_80] : memref<32x128x128xf32, #tpu.memory_space<hbm>> -> memref<1x128x128xf32, #tpu.memory_space<hbm>>
      %dma_start3A_82 = tpu.memref_squeeze %dma_start3A_81 : memref<1x128x128xf32, #tpu.memory_space<hbm>> -> memref<128x128xf32, #tpu.memory_space<hbm>>
      %dma_start3A_83 = arith.constant 0 : i32
      %dma_start3A_84 = arith.constant 0 : i32
      %dma_start3A_85 = tpu.memref_slice %arg5[%add3A, %dma_start3A_83, %dma_start3A_84] : memref<32x128x128xf32, #tpu.memory_space<hbm>> -> memref<1x128x128xf32, #tpu.memory_space<hbm>>
      %dma_start3A_86 = tpu.memref_squeeze %dma_start3A_85 : memref<1x128x128xf32, #tpu.memory_space<hbm>> -> memref<128x128xf32, #tpu.memory_space<hbm>>
      tpu.enqueue_dma source(%arg11 : memref<128x128xf32, #tpu.memory_space<vmem>>) target(%dma_start3A_86 : memref<128x128xf32, #tpu.memory_space<hbm>>) target_semaphore(%run_scoped3A : memref<!tpu.dma_semaphore, #tpu.memory_space<semaphore_mem>>)
      %dma_wait3A_87 = arith.constant 0 : i32
      %dma_wait3A_88 = arith.constant 0 : i32
      %dma_wait3A_89 = tpu.memref_slice %arg5[%add3A, %dma_wait3A_87, %dma_wait3A_88] : memref<32x128x128xf32, #tpu.memory_space<hbm>> -> memref<1x128x128xf32, #tpu.memory_space<hbm>>
      %dma_wait3A_90 = tpu.memref_squeeze %dma_wait3A_89 : memref<1x128x128xf32, #tpu.memory_space<hbm>> -> memref<128x128xf32, #tpu.memory_space<hbm>>
      %dma_wait3A_91 = arith.constant 0 : i32
      %dma_wait3A_92 = arith.constant 0 : i32
      %dma_wait3A_93 = tpu.memref_slice %arg5[%add3A, %dma_wait3A_91, %dma_wait3A_92] : memref<32x128x128xf32, #tpu.memory_space<hbm>> -> memref<1x128x128xf32, #tpu.memory_space<hbm>>
      %dma_wait3A_94 = tpu.memref_squeeze %dma_wait3A_93 : memref<1x128x128xf32, #tpu.memory_space<hbm>> -> memref<128x128xf32, #tpu.memory_space<hbm>>
      tpu.wait_dma2 semaphore(%run_scoped3A : memref<!tpu.dma_semaphore, #tpu.memory_space<semaphore_mem>>) src(%arg11 : memref<128x128xf32, #tpu.memory_space<vmem>>) dst(%dma_wait3A_94 : memref<128x128xf32, #tpu.memory_space<hbm>>)
      tpu.yield
    }) : () -> ()
    return
  }
}

module attributes {stable_mosaic.version = 14 : i64} {
  func.func @_mm_body(%arg0: i32, %arg1: memref<1024x512xf32, #tpu.memory_space<vmem>>, %arg2: memref<8x128xf32, #tpu.memory_space<vmem>>) attributes {dimension_semantics = [#tpu.dimension_semantics<arbitrary>], iteration_bounds = array<i64: 8>, scalar_prefetch = 0 : i64, scratch_operands = 0 : i64, tpu.core_type = #tpu.core_type<tc>, window_params = [{transform_indices = @transform_0, window_bounds = array<i64: 1024, 512>}, {pipeline_mode = #tpu.pipeline_mode<synchronous>, transform_indices = @transform_1, window_bounds = array<i64: 8, 128>}]} {
    %get3A = arith.constant 0 : index
    %get3A_0 = arith.constant 0 : index
    %get3A_1 = vector.load %arg1[%get3A, %get3A_0] : memref<1024x512xf32, #tpu.memory_space<vmem>>, vector<1024x512xf32>
    %abs3A = math.absf %get3A_1 : vector<1024x512xf32>
    %reduce_max3A = vector.shape_cast %abs3A : vector<1024x512xf32> to vector<1x1024x512xf32>
    %reduce_max3A_2 = arith.constant dense<0xFF800000> : vector<1xf32>
    %reduce_max3A_3 = vector.multi_reduction <maximumf>, %reduce_max3A, %reduce_max3A_2 [1, 2] : vector<1x1024x512xf32> to vector<1xf32>
    %reduce_max3A_4 = vector.shape_cast %reduce_max3A_3 : vector<1xf32> to vector<1x1x1xf32>
    %reduce_max3A_5 = vector.extract %reduce_max3A_4[0, 0, 0] : f32 from vector<1x1x1xf32>
    %eq3A = arith.constant 0 : i32
    %eq3A_6 = arith.cmpi eq, %arg0, %eq3A : i32
    %convert_element_type3A = arith.extui %eq3A_6 : i1 to i32
    %cond3A = arith.constant 0 : i32
    %cond3A_7 = arith.cmpi ne, %convert_element_type3A, %cond3A : i32
    scf.if %cond3A_7 {
      %broadcast_in_dim3A = vector.broadcast %reduce_max3A_5 : f32 to vector<8x128xf32>
      %swap3A = arith.constant 0 : index
      %swap3A_12 = arith.constant 0 : index
      %swap3A_13 = vector.load %arg2[%swap3A, %swap3A_12] : memref<8x128xf32, #tpu.memory_space<vmem>>, vector<8x128xf32>
      tpu.vector_store %arg2[%swap3A, %swap3A_12], %broadcast_in_dim3A {strides = array<i32>} : memref<8x128xf32, #tpu.memory_space<vmem>>, vector<8x128xf32>,
    } else {
    }
    %ne3A = arith.constant 0 : i32
    %ne3A_8 = arith.cmpi ne, %arg0, %ne3A : i32
    %convert_element_type3A_9 = arith.extui %ne3A_8 : i1 to i32
    %cond3A_10 = arith.constant 0 : i32
    %cond3A_11 = arith.cmpi ne, %convert_element_type3A_9, %cond3A_10 : i32
    scf.if %cond3A_11 {
      %get3A_12 = arith.constant 0 : index
      %get3A_13 = arith.constant 0 : index
      %get3A_14 = vector.load %arg2[%get3A_12, %get3A_13] : memref<8x128xf32, #tpu.memory_space<vmem>>, vector<8x128xf32>
      %max3A = vector.broadcast %reduce_max3A_5 : f32 to vector<8x128xf32>
      %max3A_15 = arith.maximumf %get3A_14, %max3A : vector<8x128xf32>
      %swap3A = arith.constant 0 : index
      %swap3A_16 = arith.constant 0 : index
      %swap3A_17 = vector.load %arg2[%swap3A, %swap3A_16] : memref<8x128xf32, #tpu.memory_space<vmem>>, vector<8x128xf32>
      tpu.vector_store %arg2[%swap3A, %swap3A_16], %max3A_15 {strides = array<i32>} : memref<8x128xf32, #tpu.memory_space<vmem>>, vector<8x128xf32>,
    } else {
    }
    return
  }
  func.func @transform_0(%arg0: i32) -> (i32, i32) {
    %c0_i32 = arith.constant 0 : i32
    %c0_i32_0 = arith.constant 0 : i32
    return %arg0, %c0_i32 : i32, i32
  }
  func.func @transform_1(%arg0: i32) -> (i32, i32) {
    %c0_i32 = arith.constant 0 : i32
    %c0_i32_0 = arith.constant 0 : i32
    %c0_i32_1 = arith.constant 0 : i32
    return %c0_i32, %c0_i32_0 : i32, i32
  }
}

module attributes {stable_mosaic.version = 14 : i64} {
  func.func @_fin_body(%arg0: memref<32x128x128xf32, #tpu.memory_space<vmem>>, %arg1: memref<8x128xf32, #tpu.memory_space<vmem>>, %arg2: memref<1x1xf32, #tpu.memory_space<smem>>) attributes {dimension_semantics = [], scalar_prefetch = 0 : i64, scratch_operands = 0 : i64, tpu.core_type = #tpu.core_type<tc>} {
    %get3A = arith.constant 0 : index
    %get3A_0 = arith.constant 0 : index
    %get3A_1 = arith.constant 0 : index
    %get3A_2 = vector.load %arg0[%get3A, %get3A_0, %get3A_1] : memref<32x128x128xf32, #tpu.memory_space<vmem>>, vector<32x64x128xf32>
    %reduce_sum3A = arith.constant dense<0.000000e+00> : vector<64x128xf32>
    %reduce_sum3A_3 = vector.multi_reduction <add>, %get3A_2, %reduce_sum3A [0] : vector<32x64x128xf32> to vector<64x128xf32>
    %get3A_4 = arith.constant 0 : index
    %get3A_5 = arith.constant 64 : index
    %get3A_6 = arith.constant 0 : index
    %get3A_7 = vector.load %arg0[%get3A_4, %get3A_5, %get3A_6] : memref<32x128x128xf32, #tpu.memory_space<vmem>>, vector<32x64x128xf32>
    %reduce_sum3A_8 = arith.constant dense<0.000000e+00> : vector<64x128xf32>
    %reduce_sum3A_9 = vector.multi_reduction <add>, %get3A_7, %reduce_sum3A_8 [0] : vector<32x64x128xf32> to vector<64x128xf32>
    %reduce_sum3A_10 = vector.shape_cast %reduce_sum3A_9 : vector<64x128xf32> to vector<1x64x128xf32>
    %reduce_sum3A_11 = arith.constant dense<0.000000e+00> : vector<1xf32>
    %reduce_sum3A_12 = vector.multi_reduction <add>, %reduce_sum3A_10, %reduce_sum3A_11 [1, 2] : vector<1x64x128xf32> to vector<1xf32>
    %reduce_sum3A_13 = vector.shape_cast %reduce_sum3A_12 : vector<1xf32> to vector<1x1x1xf32>
    %reduce_sum3A_14 = vector.extract %reduce_sum3A_13[0, 0, 0] : f32 from vector<1x1x1xf32>
    %get3A_15 = arith.constant 0 : index
    %get3A_16 = arith.constant 0 : index
    %get3A_17 = vector.load %arg1[%get3A_15, %get3A_16] : memref<8x128xf32, #tpu.memory_space<vmem>>, vector<8x128xf32>
    %reduce_max3A = vector.shape_cast %get3A_17 : vector<8x128xf32> to vector<1x8x128xf32>
    %reduce_max3A_18 = arith.constant dense<0xFF800000> : vector<1xf32>
    %reduce_max3A_19 = vector.multi_reduction <maximumf>, %reduce_max3A, %reduce_max3A_18 [1, 2] : vector<1x8x128xf32> to vector<1xf32>
    %reduce_max3A_20 = vector.shape_cast %reduce_max3A_19 : vector<1xf32> to vector<1x1x1xf32>
    %reduce_max3A_21 = vector.extract %reduce_max3A_20[0, 0, 0] : f32 from vector<1x1x1xf32>
    %add3A = arith.constant 1.000000e+00 : f32
    %add3A_22 = arith.addf %add3A, %reduce_max3A_21 : f32
    %add3A_23 = arith.addf %reduce_max3A_21, %reduce_max3A_21 : f32
    %max3A = arith.constant 1.000000e-30 : f32
    %max3A_24 = arith.maximumf %add3A_23, %max3A : f32
    %div3A = arith.constant 8.191000e+03 : f32
    %div3A_25 = arith.divf %div3A, %max3A_24 : f32
    %iota3A = tpu.iota {dimensions = array<i32: 0>} : vector<64x128xi32>
    %mul3A = arith.constant 128 : i32
    %mul3A_26 = vector.broadcast %mul3A : i32 to vector<64x128xi32>
    %mul3A_27 = arith.muli %iota3A, %mul3A_26 : vector<64x128xi32>
    %iota3A_28 = tpu.iota {dimensions = array<i32: 1>} : vector<64x128xi32>
    %add3A_29 = arith.addi %mul3A_27, %iota3A_28 : vector<64x128xi32>
    %convert_element_type3A = arith.sitofp %add3A_29 : vector<64x128xi32> to vector<64x128xf32>
    %add3A_30 = arith.constant 5.000000e-01 : f32
    %add3A_31 = vector.broadcast %add3A_30 : f32 to vector<64x128xf32>
    %add3A_32 = arith.addf %convert_element_type3A, %add3A_31 : vector<64x128xf32>
    %div3A_33 = vector.broadcast %div3A_25 : f32 to vector<64x128xf32>
    %div3A_34 = arith.divf %add3A_32, %div3A_33 : vector<64x128xf32>
    %sub3A = vector.broadcast %add3A_22 : f32 to vector<64x128xf32>
    %sub3A_35 = arith.subf %sub3A, %div3A_34 : vector<64x128xf32>
    %gt3A = arith.constant 0.000000e+00 : f32
    %gt3A_36 = vector.broadcast %gt3A : f32 to vector<64x128xf32>
    %gt3A_37 = arith.cmpf ogt, %sub3A_35, %gt3A_36 : vector<64x128xf32>
    %add3A_38 = arith.constant 1.000000e+00 : f32
    %add3A_39 = vector.broadcast %add3A_38 : f32 to vector<64x128xf32>
    %add3A_40 = arith.addf %sub3A_35, %add3A_39 : vector<64x128xf32>
    %exp3A = math.exp %sub3A_35 : vector<64x128xf32>
    %select_n3A = arith.select %gt3A_37, %add3A_40, %exp3A : vector<64x128xi1>, vector<64x128xf32>
    %broadcast_in_dim3A = arith.constant 0.000000e+00 : f32
    %broadcast_in_dim3A_41 = vector.broadcast %broadcast_in_dim3A : f32 to vector<64x1xf32>
    %slice3A = vector.extract_strided_slice %reduce_sum3A_9 {offsets = [0, 0], sizes = [64, 127], strides = [1, 1]} : vector<64x128xf32> to vector<64x127xf32>
    %concatenate3A = tpu.concatenate %broadcast_in_dim3A_41, %slice3A in 1 : vector<64x1xf32>, vector<64x127xf32> -> vector<64x128xf32>
    %add3A_42 = arith.addf %reduce_sum3A_9, %concatenate3A : vector<64x128xf32>
    %broadcast_in_dim3A_43 = arith.constant 0.000000e+00 : f32
    %broadcast_in_dim3A_44 = vector.broadcast %broadcast_in_dim3A_43 : f32 to vector<64x2xf32>
    %slice3A_45 = vector.extract_strided_slice %add3A_42 {offsets = [0, 0], sizes = [64, 126], strides = [1, 1]} : vector<64x128xf32> to vector<64x126xf32>
    %concatenate3A_46 = tpu.concatenate %broadcast_in_dim3A_44, %slice3A_45 in 1 : vector<64x2xf32>, vector<64x126xf32> -> vector<64x128xf32>
    %add3A_47 = arith.addf %add3A_42, %concatenate3A_46 : vector<64x128xf32>
    %broadcast_in_dim3A_48 = arith.constant 0.000000e+00 : f32
    %broadcast_in_dim3A_49 = vector.broadcast %broadcast_in_dim3A_48 : f32 to vector<64x4xf32>
    %slice3A_50 = vector.extract_strided_slice %add3A_47 {offsets = [0, 0], sizes = [64, 124], strides = [1, 1]} : vector<64x128xf32> to vector<64x124xf32>
    %concatenate3A_51 = tpu.concatenate %broadcast_in_dim3A_49, %slice3A_50 in 1 : vector<64x4xf32>, vector<64x124xf32> -> vector<64x128xf32>
    %add3A_52 = arith.addf %add3A_47, %concatenate3A_51 : vector<64x128xf32>
    %broadcast_in_dim3A_53 = arith.constant 0.000000e+00 : f32
    %broadcast_in_dim3A_54 = vector.broadcast %broadcast_in_dim3A_53 : f32 to vector<64x8xf32>
    %slice3A_55 = vector.extract_strided_slice %add3A_52 {offsets = [0, 0], sizes = [64, 120], strides = [1, 1]} : vector<64x128xf32> to vector<64x120xf32>
    %concatenate3A_56 = tpu.concatenate %broadcast_in_dim3A_54, %slice3A_55 in 1 : vector<64x8xf32>, vector<64x120xf32> -> vector<64x128xf32>
    %add3A_57 = arith.addf %add3A_52, %concatenate3A_56 : vector<64x128xf32>
    %broadcast_in_dim3A_58 = arith.constant 0.000000e+00 : f32
    %broadcast_in_dim3A_59 = vector.broadcast %broadcast_in_dim3A_58 : f32 to vector<64x16xf32>
    %slice3A_60 = vector.extract_strided_slice %add3A_57 {offsets = [0, 0], sizes = [64, 112], strides = [1, 1]} : vector<64x128xf32> to vector<64x112xf32>
    %concatenate3A_61 = tpu.concatenate %broadcast_in_dim3A_59, %slice3A_60 in 1 : vector<64x16xf32>, vector<64x112xf32> -> vector<64x128xf32>
    %add3A_62 = arith.addf %add3A_57, %concatenate3A_61 : vector<64x128xf32>
    %broadcast_in_dim3A_63 = arith.constant 0.000000e+00 : f32
    %broadcast_in_dim3A_64 = vector.broadcast %broadcast_in_dim3A_63 : f32 to vector<64x32xf32>
    %slice3A_65 = vector.extract_strided_slice %add3A_62 {offsets = [0, 0], sizes = [64, 96], strides = [1, 1]} : vector<64x128xf32> to vector<64x96xf32>
    %concatenate3A_66 = tpu.concatenate %broadcast_in_dim3A_64, %slice3A_65 in 1 : vector<64x32xf32>, vector<64x96xf32> -> vector<64x128xf32>
    %add3A_67 = arith.addf %add3A_62, %concatenate3A_66 : vector<64x128xf32>
    %broadcast_in_dim3A_68 = arith.constant 0.000000e+00 : f32
    %broadcast_in_dim3A_69 = vector.broadcast %broadcast_in_dim3A_68 : f32 to vector<64x64xf32>
    %slice3A_70 = vector.extract_strided_slice %add3A_67 {offsets = [0, 0], sizes = [64, 64], strides = [1, 1]} : vector<64x128xf32> to vector<64x64xf32>
    %concatenate3A_71 = tpu.concatenate %broadcast_in_dim3A_69, %slice3A_70 in 1 : vector<64x64xf32>, vector<64x64xf32> -> vector<64x128xf32>
    %add3A_72 = arith.addf %add3A_67, %concatenate3A_71 : vector<64x128xf32>
    %slice3A_73 = vector.extract_strided_slice %add3A_72 {offsets = [0, 127], sizes = [64, 1], strides = [1, 1]} : vector<64x128xf32> to vector<64x1xf32>
    %broadcast_in_dim3A_74 = vector.shape_cast %slice3A_73 : vector<64x1xf32> to vector<64x1xf32>
    %broadcast_in_dim3A_75 = vector.broadcast %broadcast_in_dim3A_74 : vector<64x1xf32> to vector<64x128xf32>
    %broadcast_in_dim3A_76 = arith.constant 0.000000e+00 : f32
    %broadcast_in_dim3A_77 = vector.broadcast %broadcast_in_dim3A_76 : f32 to vector<1x128xf32>
    %slice3A_78 = vector.extract_strided_slice %broadcast_in_dim3A_75 {offsets = [0, 0], sizes = [63, 128], strides = [1, 1]} : vector<64x128xf32> to vector<63x128xf32>
    %concatenate3A_79 = tpu.concatenate %broadcast_in_dim3A_77, %slice3A_78 in 0 : vector<1x128xf32>, vector<63x128xf32> -> vector<64x128xf32>
    %add3A_80 = arith.addf %broadcast_in_dim3A_75, %concatenate3A_79 : vector<64x128xf32>
    %broadcast_in_dim3A_81 = arith.constant 0.000000e+00 : f32
    %broadcast_in_dim3A_82 = vector.broadcast %broadcast_in_dim3A_81 : f32 to vector<2x128xf32>
    %slice3A_83 = vector.extract_strided_slice %add3A_80 {offsets = [0, 0], sizes = [62, 128], strides = [1, 1]} : vector<64x128xf32> to vector<62x128xf32>
    %concatenate3A_84 = tpu.concatenate %broadcast_in_dim3A_82, %slice3A_83 in 0 : vector<2x128xf32>, vector<62x128xf32> -> vector<64x128xf32>
    %add3A_85 = arith.addf %add3A_80, %concatenate3A_84 : vector<64x128xf32>
    %broadcast_in_dim3A_86 = arith.constant 0.000000e+00 : f32
    %broadcast_in_dim3A_87 = vector.broadcast %broadcast_in_dim3A_86 : f32 to vector<4x128xf32>
    %slice3A_88 = vector.extract_strided_slice %add3A_85 {offsets = [0, 0], sizes = [60, 128], strides = [1, 1]} : vector<64x128xf32> to vector<60x128xf32>
    %concatenate3A_89 = tpu.concatenate %broadcast_in_dim3A_87, %slice3A_88 in 0 : vector<4x128xf32>, vector<60x128xf32> -> vector<64x128xf32>
    %add3A_90 = arith.addf %add3A_85, %concatenate3A_89 : vector<64x128xf32>
    %broadcast_in_dim3A_91 = arith.constant 0.000000e+00 : f32
    %broadcast_in_dim3A_92 = vector.broadcast %broadcast_in_dim3A_91 : f32 to vector<8x128xf32>
    %slice3A_93 = vector.extract_strided_slice %add3A_90 {offsets = [0, 0], sizes = [56, 128], strides = [1, 1]} : vector<64x128xf32> to vector<56x128xf32>
    %concatenate3A_94 = tpu.concatenate %broadcast_in_dim3A_92, %slice3A_93 in 0 : vector<8x128xf32>, vector<56x128xf32> -> vector<64x128xf32>
    %add3A_95 = arith.addf %add3A_90, %concatenate3A_94 : vector<64x128xf32>
    %broadcast_in_dim3A_96 = arith.constant 0.000000e+00 : f32
    %broadcast_in_dim3A_97 = vector.broadcast %broadcast_in_dim3A_96 : f32 to vector<16x128xf32>
    %slice3A_98 = vector.extract_strided_slice %add3A_95 {offsets = [0, 0], sizes = [48, 128], strides = [1, 1]} : vector<64x128xf32> to vector<48x128xf32>
    %concatenate3A_99 = tpu.concatenate %broadcast_in_dim3A_97, %slice3A_98 in 0 : vector<16x128xf32>, vector<48x128xf32> -> vector<64x128xf32>
    %add3A_100 = arith.addf %add3A_95, %concatenate3A_99 : vector<64x128xf32>
    %broadcast_in_dim3A_101 = arith.constant 0.000000e+00 : f32
    %broadcast_in_dim3A_102 = vector.broadcast %broadcast_in_dim3A_101 : f32 to vector<32x128xf32>
    %slice3A_103 = vector.extract_strided_slice %add3A_100 {offsets = [0, 0], sizes = [32, 128], strides = [1, 1]} : vector<64x128xf32> to vector<32x128xf32>
    %concatenate3A_104 = tpu.concatenate %broadcast_in_dim3A_102, %slice3A_103 in 0 : vector<32x128xf32>, vector<32x128xf32> -> vector<64x128xf32>
    %add3A_105 = arith.addf %add3A_100, %concatenate3A_104 : vector<64x128xf32>
    %sub3A_106 = arith.subf %add3A_72, %reduce_sum3A_9 : vector<64x128xf32>
    %sub3A_107 = arith.subf %add3A_105, %broadcast_in_dim3A_75 : vector<64x128xf32>
    %add3A_108 = arith.addf %sub3A_106, %sub3A_107 : vector<64x128xf32>
    %broadcast_in_dim3A_109 = arith.constant 0.000000e+00 : f32
    %broadcast_in_dim3A_110 = vector.broadcast %broadcast_in_dim3A_109 : f32 to vector<64x1xf32>
    %slice3A_111 = vector.extract_strided_slice %reduce_sum3A_3 {offsets = [0, 0], sizes = [64, 127], strides = [1, 1]} : vector<64x128xf32> to vector<64x127xf32>
    %concatenate3A_112 = tpu.concatenate %broadcast_in_dim3A_110, %slice3A_111 in 1 : vector<64x1xf32>, vector<64x127xf32> -> vector<64x128xf32>
    %add3A_113 = arith.addf %reduce_sum3A_3, %concatenate3A_112 : vector<64x128xf32>
    %broadcast_in_dim3A_114 = arith.constant 0.000000e+00 : f32
    %broadcast_in_dim3A_115 = vector.broadcast %broadcast_in_dim3A_114 : f32 to vector<64x2xf32>
    %slice3A_116 = vector.extract_strided_slice %add3A_113 {offsets = [0, 0], sizes = [64, 126], strides = [1, 1]} : vector<64x128xf32> to vector<64x126xf32>
    %concatenate3A_117 = tpu.concatenate %broadcast_in_dim3A_115, %slice3A_116 in 1 : vector<64x2xf32>, vector<64x126xf32> -> vector<64x128xf32>
    %add3A_118 = arith.addf %add3A_113, %concatenate3A_117 : vector<64x128xf32>
    %broadcast_in_dim3A_119 = arith.constant 0.000000e+00 : f32
    %broadcast_in_dim3A_120 = vector.broadcast %broadcast_in_dim3A_119 : f32 to vector<64x4xf32>
    %slice3A_121 = vector.extract_strided_slice %add3A_118 {offsets = [0, 0], sizes = [64, 124], strides = [1, 1]} : vector<64x128xf32> to vector<64x124xf32>
    %concatenate3A_122 = tpu.concatenate %broadcast_in_dim3A_120, %slice3A_121 in 1 : vector<64x4xf32>, vector<64x124xf32> -> vector<64x128xf32>
    %add3A_123 = arith.addf %add3A_118, %concatenate3A_122 : vector<64x128xf32>
    %broadcast_in_dim3A_124 = arith.constant 0.000000e+00 : f32
    %broadcast_in_dim3A_125 = vector.broadcast %broadcast_in_dim3A_124 : f32 to vector<64x8xf32>
    %slice3A_126 = vector.extract_strided_slice %add3A_123 {offsets = [0, 0], sizes = [64, 120], strides = [1, 1]} : vector<64x128xf32> to vector<64x120xf32>
    %concatenate3A_127 = tpu.concatenate %broadcast_in_dim3A_125, %slice3A_126 in 1 : vector<64x8xf32>, vector<64x120xf32> -> vector<64x128xf32>
    %add3A_128 = arith.addf %add3A_123, %concatenate3A_127 : vector<64x128xf32>
    %broadcast_in_dim3A_129 = arith.constant 0.000000e+00 : f32
    %broadcast_in_dim3A_130 = vector.broadcast %broadcast_in_dim3A_129 : f32 to vector<64x16xf32>
    %slice3A_131 = vector.extract_strided_slice %add3A_128 {offsets = [0, 0], sizes = [64, 112], strides = [1, 1]} : vector<64x128xf32> to vector<64x112xf32>
    %concatenate3A_132 = tpu.concatenate %broadcast_in_dim3A_130, %slice3A_131 in 1 : vector<64x16xf32>, vector<64x112xf32> -> vector<64x128xf32>
    %add3A_133 = arith.addf %add3A_128, %concatenate3A_132 : vector<64x128xf32>
    %broadcast_in_dim3A_134 = arith.constant 0.000000e+00 : f32
    %broadcast_in_dim3A_135 = vector.broadcast %broadcast_in_dim3A_134 : f32 to vector<64x32xf32>
    %slice3A_136 = vector.extract_strided_slice %add3A_133 {offsets = [0, 0], sizes = [64, 96], strides = [1, 1]} : vector<64x128xf32> to vector<64x96xf32>
    %concatenate3A_137 = tpu.concatenate %broadcast_in_dim3A_135, %slice3A_136 in 1 : vector<64x32xf32>, vector<64x96xf32> -> vector<64x128xf32>
    %add3A_138 = arith.addf %add3A_133, %concatenate3A_137 : vector<64x128xf32>
    %broadcast_in_dim3A_139 = arith.constant 0.000000e+00 : f32
    %broadcast_in_dim3A_140 = vector.broadcast %broadcast_in_dim3A_139 : f32 to vector<64x64xf32>
    %slice3A_141 = vector.extract_strided_slice %add3A_138 {offsets = [0, 0], sizes = [64, 64], strides = [1, 1]} : vector<64x128xf32> to vector<64x64xf32>
    %concatenate3A_142 = tpu.concatenate %broadcast_in_dim3A_140, %slice3A_141 in 1 : vector<64x64xf32>, vector<64x64xf32> -> vector<64x128xf32>
    %add3A_143 = arith.addf %add3A_138, %concatenate3A_142 : vector<64x128xf32>
    %slice3A_144 = vector.extract_strided_slice %add3A_143 {offsets = [0, 127], sizes = [64, 1], strides = [1, 1]} : vector<64x128xf32> to vector<64x1xf32>
    %broadcast_in_dim3A_145 = vector.shape_cast %slice3A_144 : vector<64x1xf32> to vector<64x1xf32>
    %broadcast_in_dim3A_146 = vector.broadcast %broadcast_in_dim3A_145 : vector<64x1xf32> to vector<64x128xf32>
    %broadcast_in_dim3A_147 = arith.constant 0.000000e+00 : f32
    %broadcast_in_dim3A_148 = vector.broadcast %broadcast_in_dim3A_147 : f32 to vector<1x128xf32>
    %slice3A_149 = vector.extract_strided_slice %broadcast_in_dim3A_146 {offsets = [0, 0], sizes = [63, 128], strides = [1, 1]} : vector<64x128xf32> to vector<63x128xf32>
    %concatenate3A_150 = tpu.concatenate %broadcast_in_dim3A_148, %slice3A_149 in 0 : vector<1x128xf32>, vector<63x128xf32> -> vector<64x128xf32>
    %add3A_151 = arith.addf %broadcast_in_dim3A_146, %concatenate3A_150 : vector<64x128xf32>
    %broadcast_in_dim3A_152 = arith.constant 0.000000e+00 : f32
    %broadcast_in_dim3A_153 = vector.broadcast %broadcast_in_dim3A_152 : f32 to vector<2x128xf32>
    %slice3A_154 = vector.extract_strided_slice %add3A_151 {offsets = [0, 0], sizes = [62, 128], strides = [1, 1]} : vector<64x128xf32> to vector<62x128xf32>
    %concatenate3A_155 = tpu.concatenate %broadcast_in_dim3A_153, %slice3A_154 in 0 : vector<2x128xf32>, vector<62x128xf32> -> vector<64x128xf32>
    %add3A_156 = arith.addf %add3A_151, %concatenate3A_155 : vector<64x128xf32>
    %broadcast_in_dim3A_157 = arith.constant 0.000000e+00 : f32
    %broadcast_in_dim3A_158 = vector.broadcast %broadcast_in_dim3A_157 : f32 to vector<4x128xf32>
    %slice3A_159 = vector.extract_strided_slice %add3A_156 {offsets = [0, 0], sizes = [60, 128], strides = [1, 1]} : vector<64x128xf32> to vector<60x128xf32>
    %concatenate3A_160 = tpu.concatenate %broadcast_in_dim3A_158, %slice3A_159 in 0 : vector<4x128xf32>, vector<60x128xf32> -> vector<64x128xf32>
    %add3A_161 = arith.addf %add3A_156, %concatenate3A_160 : vector<64x128xf32>
    %broadcast_in_dim3A_162 = arith.constant 0.000000e+00 : f32
    %broadcast_in_dim3A_163 = vector.broadcast %broadcast_in_dim3A_162 : f32 to vector<8x128xf32>
    %slice3A_164 = vector.extract_strided_slice %add3A_161 {offsets = [0, 0], sizes = [56, 128], strides = [1, 1]} : vector<64x128xf32> to vector<56x128xf32>
    %concatenate3A_165 = tpu.concatenate %broadcast_in_dim3A_163, %slice3A_164 in 0 : vector<8x128xf32>, vector<56x128xf32> -> vector<64x128xf32>
    %add3A_166 = arith.addf %add3A_161, %concatenate3A_165 : vector<64x128xf32>
    %broadcast_in_dim3A_167 = arith.constant 0.000000e+00 : f32
    %broadcast_in_dim3A_168 = vector.broadcast %broadcast_in_dim3A_167 : f32 to vector<16x128xf32>
    %slice3A_169 = vector.extract_strided_slice %add3A_166 {offsets = [0, 0], sizes = [48, 128], strides = [1, 1]} : vector<64x128xf32> to vector<48x128xf32>
    %concatenate3A_170 = tpu.concatenate %broadcast_in_dim3A_168, %slice3A_169 in 0 : vector<16x128xf32>, vector<48x128xf32> -> vector<64x128xf32>
    %add3A_171 = arith.addf %add3A_166, %concatenate3A_170 : vector<64x128xf32>
    %broadcast_in_dim3A_172 = arith.constant 0.000000e+00 : f32
    %broadcast_in_dim3A_173 = vector.broadcast %broadcast_in_dim3A_172 : f32 to vector<32x128xf32>
    %slice3A_174 = vector.extract_strided_slice %add3A_171 {offsets = [0, 0], sizes = [32, 128], strides = [1, 1]} : vector<64x128xf32> to vector<32x128xf32>
    %concatenate3A_175 = tpu.concatenate %broadcast_in_dim3A_173, %slice3A_174 in 0 : vector<32x128xf32>, vector<32x128xf32> -> vector<64x128xf32>
    %add3A_176 = arith.addf %add3A_171, %concatenate3A_175 : vector<64x128xf32>
    %sub3A_177 = arith.subf %add3A_143, %reduce_sum3A_3 : vector<64x128xf32>
    %sub3A_178 = arith.subf %add3A_176, %broadcast_in_dim3A_146 : vector<64x128xf32>
    %add3A_179 = arith.addf %sub3A_177, %sub3A_178 : vector<64x128xf32>
    %add3A_180 = vector.broadcast %reduce_sum3A_14 : f32 to vector<64x128xf32>
    %add3A_181 = arith.addf %add3A_180, %add3A_179 : vector<64x128xf32>
    %mul3A_182 = arith.mulf %reduce_sum3A_9, %select_n3A : vector<64x128xf32>
    %max3A_183 = arith.constant 1.000000e+00 : f32
    %max3A_184 = vector.broadcast %max3A_183 : f32 to vector<64x128xf32>
    %max3A_185 = arith.maximumf %add3A_181, %max3A_184 : vector<64x128xf32>
    %div3A_186 = arith.divf %mul3A_182, %max3A_185 : vector<64x128xf32>
    %sub3A_187 = vector.broadcast %reduce_sum3A_14 : f32 to vector<64x128xf32>
    %sub3A_188 = arith.subf %sub3A_187, %add3A_108 : vector<64x128xf32>
    %sub3A_189 = arith.subf %sub3A_188, %reduce_sum3A_9 : vector<64x128xf32>
    %mul3A_190 = arith.mulf %reduce_sum3A_3, %select_n3A : vector<64x128xf32>
    %mul3A_191 = arith.mulf %mul3A_190, %sub3A_189 : vector<64x128xf32>
    %add3A_192 = arith.addf %add3A_181, %reduce_sum3A_3 : vector<64x128xf32>
    %mul3A_193 = arith.mulf %add3A_181, %add3A_192 : vector<64x128xf32>
    %max3A_194 = arith.constant 1.000000e+00 : f32
    %max3A_195 = vector.broadcast %max3A_194 : f32 to vector<64x128xf32>
    %max3A_196 = arith.maximumf %mul3A_193, %max3A_195 : vector<64x128xf32>
    %div3A_197 = arith.divf %mul3A_191, %max3A_196 : vector<64x128xf32>
    %reduce_sum3A_198 = vector.shape_cast %div3A_186 : vector<64x128xf32> to vector<1x64x128xf32>
    %reduce_sum3A_199 = arith.constant dense<0.000000e+00> : vector<1xf32>
    %reduce_sum3A_200 = vector.multi_reduction <add>, %reduce_sum3A_198, %reduce_sum3A_199 [1, 2] : vector<1x64x128xf32> to vector<1xf32>
    %reduce_sum3A_201 = vector.shape_cast %reduce_sum3A_200 : vector<1xf32> to vector<1x1x1xf32>
    %reduce_sum3A_202 = vector.extract %reduce_sum3A_201[0, 0, 0] : f32 from vector<1x1x1xf32>
    %reduce_sum3A_203 = vector.shape_cast %div3A_197 : vector<64x128xf32> to vector<1x64x128xf32>
    %reduce_sum3A_204 = arith.constant dense<0.000000e+00> : vector<1xf32>
    %reduce_sum3A_205 = vector.multi_reduction <add>, %reduce_sum3A_203, %reduce_sum3A_204 [1, 2] : vector<1x64x128xf32> to vector<1xf32>
    %reduce_sum3A_206 = vector.shape_cast %reduce_sum3A_205 : vector<1xf32> to vector<1x1x1xf32>
    %reduce_sum3A_207 = vector.extract %reduce_sum3A_206[0, 0, 0] : f32 from vector<1x1x1xf32>
    %add3A_208 = arith.addf %reduce_sum3A_202, %reduce_sum3A_207 : f32
    %gt3A_209 = arith.constant 0.000000e+00 : f32
    %gt3A_210 = vector.broadcast %gt3A_209 : f32 to vector<64x128xf32>
    %gt3A_211 = arith.cmpf ogt, %reduce_sum3A_3, %gt3A_210 : vector<64x128xf32>
    %jit3A = arith.constant 1073741824 : i32
    %broadcast_in_dim3A_212 = vector.broadcast %jit3A : i32 to vector<64x128xi32>
    %select_n3A_213 = arith.select %gt3A_211, %add3A_29, %broadcast_in_dim3A_212 : vector<64x128xi1>, vector<64x128xi32>
    %reduce_min3A = vector.shape_cast %select_n3A_213 : vector<64x128xi32> to vector<1x64x128xi32>
    %reduce_min3A_214 = arith.constant dense<2147483647> : vector<1xi32>
    %reduce_min3A_215 = vector.multi_reduction <minsi>, %reduce_min3A, %reduce_min3A_214 [1, 2] : vector<1x64x128xi32> to vector<1xi32>
    %reduce_min3A_216 = vector.shape_cast %reduce_min3A_215 : vector<1xi32> to vector<1x1x1xi32>
    %reduce_min3A_217 = vector.extract %reduce_min3A_216[0, 0, 0] : i32 from vector<1x1x1xi32>
    %eq3A = vector.broadcast %reduce_min3A_217 : i32 to vector<64x128xi32>
    %eq3A_218 = arith.cmpi eq, %add3A_29, %eq3A : vector<64x128xi32>
    %jit3A_219 = arith.constant 0.000000e+00 : f32
    %broadcast_in_dim3A_220 = vector.broadcast %jit3A_219 : f32 to vector<64x128xf32>
    %select_n3A_221 = arith.select %eq3A_218, %sub3A_35, %broadcast_in_dim3A_220 : vector<64x128xi1>, vector<64x128xf32>
    %reduce_sum3A_222 = vector.shape_cast %select_n3A_221 : vector<64x128xf32> to vector<1x64x128xf32>
    %reduce_sum3A_223 = arith.constant dense<0.000000e+00> : vector<1xf32>
    %reduce_sum3A_224 = vector.multi_reduction <add>, %reduce_sum3A_222, %reduce_sum3A_223 [1, 2] : vector<1x64x128xf32> to vector<1xf32>
    %reduce_sum3A_225 = vector.shape_cast %reduce_sum3A_224 : vector<1xf32> to vector<1x1x1xf32>
    %reduce_sum3A_226 = vector.extract %reduce_sum3A_225[0, 0, 0] : f32 from vector<1x1x1xf32>
    %eq3A_227 = arith.constant 0.000000e+00 : f32
    %eq3A_228 = arith.cmpf oeq, %reduce_sum3A_14, %eq3A_227 : f32
    %gt3A_229 = arith.constant 0.000000e+00 : f32
    %gt3A_230 = arith.cmpf ogt, %reduce_sum3A_226, %gt3A_229 : f32
    %add3A_231 = arith.constant 1.000000e+00 : f32
    %add3A_232 = arith.addf %reduce_sum3A_226, %add3A_231 : f32
    %exp3A_233 = math.exp %reduce_sum3A_226 : f32
    %select_n3A_234 = arith.select %gt3A_230, %add3A_232, %exp3A_233 : f32
    %select_n3A_235 = arith.select %eq3A_228, %select_n3A_234, %add3A_208 : f32
    %swap3A = arith.constant 0 : index
    %swap3A_236 = arith.constant 0 : index
    %swap3A_237 = memref.load %arg2[%swap3A, %swap3A_236] : memref<1x1xf32, #tpu.memory_space<smem>>
    memref.store %select_n3A_235, %arg2[%swap3A, %swap3A_236] : memref<1x1xf32, #tpu.memory_space<smem>>
    return
  }
}

</mosaic_0001>

<sc_bundles>
// kernel: kernel.5.cloned.1.call-start
scs
__scs_entry_jumppad:
0x0: {  	(pc) =	sbr.rel $0x88, $3  }
0x1: {  	(tag) =	ssettag $0x0;
	lr =	simm.s32 $0x1  }
0x2: {  	[smem:$0x3F9F] =	sst lr;
	_ =	strace $0xD0000000  }
0x3: {  	_ = 	snop  }
0x4: {  	_ = 	snop  }
0x5: {  	_ = 	snop  }
0x6: {  	_ = 	snop  }
0x7: {  	_ = 	snop  }
__scs_overlays_trampoline_lowered:
0x8: {  	[smem:$0x3FAE] =	sst s0  }
0x9: {  	[smem:$0x3FAF] =	sst s1  }
0xa: {  	[smem:$0x3FB0] =	sst s2  }
0xb: {  	[smem:$0x3FB1] =	sst s3  }
0xc: {  	[smem:$0x3FB2] =	sst s4  }
0xd: {  	[smem:$0x3FB3] =	sst s5  }
0xe: {  	[smem:$0x3FB4] =	sst s6  }
0xf: {  	[smem:$0x3FB5] =	sst s7  }
0x10: {  	[smem:$0x3FB6] =	sst s8  }
0x11: {  	[smem:$0x3FB7] =	sst s9;
	s0 =	simm.s32 @!p0 $0x0  }
0x12: {  	s1 =	sld [smem:$0x3F9D];
	s0 =	simm.s32 @p0 $0x1  }
0x13: {  	[smem:$0x3FB8] =	sst s0;
	s0 =	simm.s32 @!p1 $0x0  }
0x14: {  	s2 =	sld [smem:$0x3F9C];
	s0 =	simm.s32 @p1 $0x1  }
0x15: {  	[smem:$0x3FB9] =	sst s0;
	s0 =	simm.s32 @!p2 $0x0  }
0x16: {  	s3 =	sld [smem:$0x3FDB];
	s0 =	simm.s32 @p2 $0x1  }
0x17: {  	s4 =	simm.s32 $0x1BF5;
	[smem:$0x3FBB] =	sst s0  }
0x18: {  	s0 =	sld [smem:$0x3F9E];
	_ =	swait.ge [sflag:s4], $0x0  }
0x19: {  	s7 =	sld [smem:$0x3F9F]  }
0x1a: {  	s8 =	sadd.s32 $0xFFFFE003, lr  }
0x1b: {  	s9 =	sadd.s32 $0xFFFFFEF7, lr;
	s5 =	simm.s32 $0xFFFFFFFF;
	p2 =	slt.u32 s8, $0xFFFFF086  }
0x1c: {  	p1 =	slt.u32 s9, $0xF7A;
	s5 =	simm.s32 @!p2 $0x0  }
0x1d: {  	s5 =	simm.s32 @p1 $0x1;
	p0 =	seq.s32 s7, s2  }
0x1e: {  	s7 =	smul.u32 @!p0 $0xF7A, s2;
	p2 =	seq.s32 @!p0 s5, $0x0  }
0x1f: {  	s9 =	smul.u32 $0xF7A, s1;
	s8 =	simm.s32 @!p0 $0x1BF5;
	p2 =	por !p2, p0  }
0x20: {  	[sflag:s8] =	ssyncset.s32 @!p0 $0xFFFFF086;
	s6 =	sadd.s32 @!p0 s3, s7;
	s7 =	simm.s32 @!p0 $0x108  }
0x21: {  	s3 =	sadd.s32 s3, s9;
	s6 =	sadd.s32 @!p0 $0x88, s6;
	s7 =	simm.s32 @p2 $0x1082  }
0x22: {  	[simem:s7], [sflag:s8] =	dma.local @!p0 [hbm:s6], $0xF7A  }
0x23: {  	s9 =	sor.u32 $0xD0000000, s2;
	s6 =	simm.s32 $0x108;
	_ =	swait.ge @!p0 [sflag:s8], $0x0  }
0x24: {  	s3 =	sadd.s32 $0x88, s3;
	s6 =	simm.s32 @!p1 $0x1082;
	[sflag:s4] =	ssyncset.s32 $0xFFFFF086  }
0x25: {  	[simem:s6], [sflag:s4] =	dma.local [hbm:s3], $0xF7A  }
0x26: {  	[smem:$0x3F9F] =	sst s1;
	(tag) =	ssettag s2;
	_ =	strace s9  }
0x27: {  	s1 =	sld [smem:$0x3FAF]  }
0x28: {  	s2 =	sld [smem:$0x3FB0]  }
0x29: {  	s4 =	sld [smem:$0x3FB2]  }
0x2a: {  	p0 =	seq.s32 s5, $0x0;
	s5 =	sld [smem:$0x3FB3]  }
0x2b: {  	s6 =	sld [smem:$0x3FB4]  }
0x2c: {  	s7 =	sld [smem:$0x3FB5]  }
0x2d: {  	s3 =	simm.s32 $0x108;
	s8 =	sld [smem:$0x3FB6]  }
0x2e: {  	s3 =	simm.s32 @!p0 $0x1082;
	s9 =	sld [smem:$0x3FB7]  }
0x2f: {  	lr =	sadd.s32 s0, s3;
	s0 =	sld [smem:$0x3FAE]  }
0x30: {  	s3 =	sld [smem:$0x3FB1]  }
0x31: {  	[smem:$0x3FBA] =	sst s10  }
0x32: {  	s10 =	sld [smem:$0x3FB8];
	_ =	sdelay $0x3  }
0x33: {  	p0 =	seq.s32 s10, $0x1;
	s10 =	sld [smem:$0x3FBA];
	_ =	sdelay $0x3  }
0x34: {  	[smem:$0x3FBA] =	sst s10  }
0x35: {  	s10 =	sld [smem:$0x3FB9];
	_ =	sdelay $0x3  }
0x36: {  	p1 =	seq.s32 s10, $0x1;
	s10 =	sld [smem:$0x3FBA];
	_ =	sdelay $0x3  }
0x37: {  	[smem:$0x3FBA] =	sst s10  }
0x38: {  	s10 =	sld [smem:$0x3FBB]  }
0x39: {  	_ = 	snop;
	(pc) =	sbr.ind lr, $3  }
0x3a: {  	_ = 	snop  }
0x3b: {  	_ = 	snop  }
0x3c: {  	p2 =	seq.s32 s10, $0x1;
	s10 =	sld [smem:$0x3FBA]  }
0x3d: {  	_ =	shalt  }
0x3e: {  	_ =	shalt  }
0x3f: {  	_ =	shalt  }
0x40: {  	_ =	shalt  }
0x41: {  	_ =	shalt  }
0x42: {  	_ =	shalt  }
0x43: {  	_ =	shalt  }
0x44: {  	_ =	shalt  }
0x45: {  	_ =	shalt  }
0x46: {  	_ =	shalt  }
0x47: {  	_ =	shalt  }
0x48: {  	_ =	shalt  }
0x49: {  	_ =	shalt  }
0x4a: {  	_ =	shalt  }
0x4b: {  	_ =	shalt  }
0x4c: {  	_ =	shalt  }
0x4d: {  	_ =	shalt  }
0x4e: {  	_ =	shalt  }
0x4f: {  	_ =	shalt  }
0x50: {  	_ =	shalt  }
0x51: {  	_ =	shalt  }
0x52: {  	_ =	shalt  }
0x53: {  	_ =	shalt  }
0x54: {  	_ =	shalt  }
0x55: {  	_ =	shalt  }
0x56: {  	_ =	shalt  }
0x57: {  	_ =	shalt  }
0x58: {  	_ =	shalt  }
0x59: {  	_ =	shalt  }
0x5a: {  	_ =	shalt  }
0x5b: {  	_ =	shalt  }
0x5c: {  	_ =	shalt  }
0x5d: {  	_ =	shalt  }
0x5e: {  	_ =	shalt  }
0x5f: {  	_ =	shalt  }
0x60: {  	_ =	shalt  }
0x61: {  	_ =	shalt  }
0x62: {  	_ =	shalt  }
0x63: {  	_ =	shalt  }
0x64: {  	_ =	shalt  }
0x65: {  	_ =	shalt  }
0x66: {  	_ =	shalt  }
0x67: {  	_ =	shalt  }
0x68: {  	_ =	shalt  }
0x69: {  	_ =	shalt  }
0x6a: {  	_ =	shalt  }
0x6b: {  	_ =	shalt  }
0x6c: {  	_ =	shalt  }
0x6d: {  	_ =	shalt  }
0x6e: {  	_ =	shalt  }
0x6f: {  	_ =	shalt  }
0x70: {  	_ =	shalt  }
0x71: {  	_ =	shalt  }
0x72: {  	_ =	shalt  }
0x73: {  	_ =	shalt  }
0x74: {  	_ =	shalt  }
0x75: {  	_ =	shalt  }
0x76: {  	_ =	shalt  }
0x77: {  	_ =	shalt  }
0x78: {  	_ =	shalt  }
0x79: {  	_ =	shalt  }
0x7a: {  	_ =	shalt  }
0x7b: {  	_ =	shalt  }
0x7c: {  	_ =	shalt  }
0x7d: {  	_ =	shalt  }
0x7e: {  	_ =	shalt  }
0x7f: {  	_ =	shalt  }
0x80: {  	_ =	shalt  }
0x81: {  	_ =	shalt  }
0x82: {  	_ =	shalt  }
0x83: {  	_ =	shalt  }
0x84: {  	_ =	shalt  }
0x85: {  	_ =	shalt  }
0x86: {  	_ =	shalt  }
0x87: {  	_ =	shalt  }
.Lfunc_end0:
.L_simem_size_0:
called_computation_lowered:
.L_overlay_start_0:
0x88: {  	s2 =	sld [smem:$0x3FD9]  }
0x89: {  	s3 =	sld [smem:$0x3FFE];
	_ =	sdelay $0x1  }
0x8a: {  	s1 =	srdreg.scid  }
0x8b: {  	s0 =	sand.u32 $0x1, s1  }
0x8c: {  	s17 =	sshll.u32 s0, $0xA;
	s2 =	sadd.s32 s3, s2  }
0x8d: {  	s2 =	sadd.s32 s2, s17  }
0x8e: {  	[smem:$0x3FC6] =	sst s2  }
0x8f: {  	_ = 	snop  }
0x90: {  	s2 =	sld [smem:$0x3FC9]  }
0x91: {  	s18 =	sld [smem:$0x3FC8]  }
0x92: {  	s4 =	sld [smem:$0x3FD0];
	(tm) =	ssettm $0x1  }
0x93: {  	s5 =	sld [smem:$0x3FFB];
	_ =	sdelay $0x3  }
0x94: {  	_ =	strace s5  }
0x95: {  	s5 =	sld [smem:$0x3FFC];
	_ =	sdelay $0x3  }
0x96: {  	_ =	strace s5  }
0x97: {  	s5 =	sld [smem:$0x3FFD];
	_ =	sdelay $0x3  }
0x98: {  	_ =	strace s5  }
0x99: {  	_ =	strace $0x8FFFFFFF  }
0x9a: {  	s19 =	sld [smem:$0x3FDB];
	_ =	sdelay $0x1  }
0x9b: {  	s6 =	simm.s32 $_scs_section_size  }
0x9c: {  	s7 =	simm.s32 $_size__tile_overlayer_lowered;
	s8 =	simm.s32 $_tile_overlayer_lowered  }
0x9d: {  	s22 =	simm.s32 $0x1BFF;
	s21 =	sshll.u32 s8, $0x1;
	s5 =	sadd.s32 s6, s19  }
0x9e: {  	s9 =	simm.s32 $0x0;
	s20 =	sshll.u32 s7, $0x1;
	s7 =	sadd.s32 s21, s5  }
0x9f: {  	[timem:s9], [sflag:s22] =	dma.local [hbm:s7], s20  }
0xa0: {  	_ =	swait.ge [sflag:s22], s20  }
0xa1: {  	s6 =	ssub.s32 $0x0, s20;
	[sflag:s22] =	ssyncset.done $0x0  }
0xa2: {  	[sflag:s22] =	ssyncadd.s32 s6;
	_ =	sdelay $0x1  }
0xa3: {  	s23 =	simm.s32 $0x1B8B  }
0xa4: {  	_ =	swait.ge [sflag:s23], $0x1  }
0xa5: {  	[sflag:s23] =	ssyncset.done $0x0  }
0xa6: {  	s25 =	simm.s32 $0x1B8E;
	s24 =	sld [smem:$0x3FFE];
	[sflag:s23] =	ssyncadd.s32 $0xFFFFFFFF  }
0xa7: {  	s26 =	simm.s32 $execute0_lowered;
	[smem:$0x3FD2] =	sst s25  }
0xa8: {  	s7 =	sshll.u32 s26, $0x1;
	_ =	strace $0x80000046;
	[dreg:$0x1] =	wrdreg $0xFFFFFFFF  }
0xa9: {  	s28 =	simm.s32 $_size_execute0_lowered;
	s5 =	sadd.s32 s5, s7;
	[dreg:$0x0] =	wrdreg $0x0  }
0xaa: {  	s7 =	sshll.u32 s28, $0x1;
	[dreg:$0x2] =	wrdreg s5  }
0xab: {  	[dreg:$0x3] =	wrdreg s7  }
0xac: {  	[dreg:$0x4] =	wrdreg $0xC0  }
0xad: {  	_ =	task [dreg:s9], $0x5FFFF  }
0xae: {  	[dreg:$0x1] =	wrdreg $0xFFFFFFFF  }
0xaf: {  	[dreg:$0x0] =	wrdreg $0x60  }
0xb0: {  	[dreg:$0x2] =	wrdreg s2  }
0xb1: {  	[dreg:$0x3] =	wrdreg s18  }
0xb2: {  	[dreg:$0x4] =	wrdreg s4  }
0xb3: {  	[dreg:$0x5] =	wrdreg s24  }
0xb4: {  	[dreg:$0x6] =	wrdreg $0x9  }
0xb5: {  	_ =	task.clear_ibuf [dreg:s9], $0x7FFFF;
	_ =	strace $0x90000046  }
0xb6: {  	s29 =	simm.s32 $0x9;
	_ =	strace $0x80000048  }
0xb7: {  	_ =	swait.ge [sflag:s29], $0x1  }
0xb8: {  	[sflag:s29] =	ssyncadd.s32 $0xFFFFFFFF  }
0xb9: {  	_ =	strace $0x90000048  }
0xba: {  	_ =	sfence  }
0xbb: {  	s30 =	sld [smem:$0x0];
	_ =	sdelay $0x2  }
0xbc: {  	s31 =	sshll.u32 s1, $0xD;
	s1 =	sshrl.u32 s1, $0x2  }
0xbd: {  	s3 =	sand.u32 $0x4000, s31;
	s1 =	sadd.s32 s1, s30  }
0xbe: {  	s0 =	sor.u32 s3, s0;
	s1 =	sshll.u32 s1, $0x11  }
0xbf: {  	s0 =	sor.u32 s1, s0  }
0xc0: {  	s0 =	sadd.s32 $0x8F2B, s0  }
0xc1: {  	[sflag:s0] =	ssyncadd.remote.s32 $0x1  }
0xc2: {  	_ =	sfence.sel $0xFFFF  }
0xc3: {  	[dreg:$0x0] =	wrdreg $0xFFFFFFFF;
	(pc) =	sbr.abs _section_cstart, $3  }
0xc4: {  	[dreg:$0x1] =	wrdreg $0xFFFFFFFF  }
0xc5: {  	_ =	task.clear_ibuf [dreg:s9], $0x2FFFF;
	_ =	strace $0x9FFFFFFF  }
0xc6: {  	(tm) =	ssettm $0x7FFFFFFF  }
0xc7: {  	_ =	shalt  }
tec
execute0_lowered:
.L_overlay_start_1:
0x0: {  	(tag) =	ssettag $0x1  }
0x1: {  	s0 =	srdreg.scid;
	s1 =	rddreg [dreg:$0x0]  }
0x2: {  	s5 =	stileid.u32;
	s4 =	rddreg [dreg:$0x3];
	s6 =	simm.s32 $0x1  }
0x3: {  	s7 =	simm.s32 $0x0;
	s14 =	simm.s32 $0x3;
	s15 =	simm.s32 $0x2000  }
0x4: {  	s16 =	simm.s32 $0x1000;
	s0 =	sand.u32 $0x1, s0;
	s2 =	sshll.u32 s5, $0x1  }
0x5: {  	s17 =	simm.s32 $0x3000;
	s18 =	simm.s32 $0x4080;
	s3 =	sor.u32 s0, s2  }
0x6: {  	s19 =	simm.s32 $0x2;
	p1 =	seq.s32 s0, $0x1;
	p0 =	seq.s32 s3, $0x0  }
0x7: {  	s20 =	simm.s32 $0x0;
	s21 =	simm.s32 $0x0;
	p0 =	por !p0, !p1  }
0x8: {  	[smem:$0x7FF] =	sst s7;
	s7 =	simm.s32 $0x1;
	p0 =	por !p0, !p0  }
0x9: {  	s2 =	rddreg [dreg:$0x1];
	_ =	strace $0x80000047;
	s6 =	simm.s32 @!p0 $0x0  }
0xa: {  	s30 =	sshll.u32 s0, $0x11;
	s0 =	ssub.s32 $0x2, s0;
	s6 =	ssub.s32 s5, s6  }
0xb: {  	s3 =	sshll.u32 s3, $0xB;
	s31 =	sshrl.u32 s0, $0x1;
	s6 =	sshll.u32 s6, $0x12  }
0xc: {  	s3 =	sadd.s32 s3, s4;
	s0 =	ssub.s32 s0, s31;
	s6 =	sor.u32 s30, s6  }
0xd: {  	s11 =	sadd.s32 $0x800, s3;
	s12 =	smax.u32 s0, $0x1;
	s9 =	sshrl.u32 s6, $0x3  }
0xe: {  	v0 =	vimm.f32 $0.0e+00;
	v1 =	vimm.f32 $1.000000000e+00;
	s10 =	sor.u32 $0x1000, s6;
	s8 =	sadd.s32 s1, s9;
	s9 =	sadd.s32 s2, s9  }
.LBB2_1:
0xf: {  	s0 =	simm.s32 $0x40C0  }
0x10: {  	[tilespmem:s0+$0xFFFFFFC0] =	vst v0  }
0x11: {  	[tilespmem:s0+$0x30] =	vst v0  }
0x12: {  	[tilespmem:s0+$0x20] =	vst v0  }
0x13: {  	[tilespmem:s0+$0x10] =	vst v0  }
0x14: {  	[tilespmem:s0+$0x0] =	vst v0  }
0x15: {  	[tilespmem:s0+$0xFFFFFFF0] =	vst v0  }
0x16: {  	s3 =	simm.s32 $0x0;
	[tilespmem:s0+$0xFFFFFFE0] =	vst v0  }
.LBB2_2:
0x17: {  	s3 =	sadd.s32 $0x8, s3;
	[tilespmem:s0+$0xFFFFFFD0] =	vst v0;
	s0 =	sadd.s32 $0x80, s0  }
0x18: {  	[tilespmem:s0+$0xFFFFFFC0] =	vst v0;
	p0 =	slt.u32 s3, $0x3F8  }
0x19: {  	[tilespmem:s0+$0x30] =	vst v0  }
.Ltmp0:
0x1a: {  	[tilespmem:s0+$0x20] =	vst v0;
	(pc) =	sbr.rel @p0 .LBB2_2-.Ltmp0, $4  }
0x1b: {  	[tilespmem:s0+$0x10] =	vst v0  }
0x1c: {  	[tilespmem:s0+$0x0] =	vst v0  }
0x1d: {  	[tilespmem:s0+$0xFFFFFFF0] =	vst v0  }
0x1e: {  	[tilespmem:s0+$0xFFFFFFE0] =	vst v0  }
0x1f: {  	[tilespmem:s0+$0xFFFFFFD0] =	vst v0;
	s31 =	rddreg [dreg:$0x2];
	s3 =	simm.s32 $0x4000  }
0x20: {  	[tilespmem:s3], [sflag:$0x3] =	stream.linear.gather [hbm4b:s31+s21], $0x80, $0x38;
	[tilespmem:$0x8080] =	vst v63  }
0x21: {  	_ =	swait.ge [sflag:s14], $0x80  }
0x22: {  	[sflag:s14] =	ssyncset.done $0x0  }
0x23: {  	[sflag:s14] =	ssyncadd.s32 $0xFFFFFF80  }
0x24: {  	v3 =	vld [tilespmem:$0x4000];
	_ =	sdelay $0x4  }
0x25: {  	v2 =	vadd.f32 v3, v3;
	_ =	sdelay $0x1  }
0x26: {  	v2 =	vmax.f32 v2, $1.000000000e-30  }
0x27: {  	(erf) = vrcp.f32 v2;
	_ =	sdelay $0x8  }
0x28: {  	v2 =	vpop (erf)  }
0x29: {  	[tilespmem:s21], [sflag:$0x1] =	stream.linear.gather [hbm4b:s8+s21], $0x1000, $0x38;
	v2 =	vmul.f32 $8.191000000e+03, v2;
	[tilespmem:$0x8080] =	vst v63  }
0x2a: {  	s22 =	simm.s32 $0x0  }
0x2b: {  	[tilespmem:s15], [sflag:$0x1] =	stream.linear.gather [hbm4b:s9+s21], $0x1000, $0x38;
	v3 =	vmul.f32 v2, v3;
	v4 =	vsub.f32 $0.0e+00, v2;
	[tilespmem:$0x8080] =	vst v63  }
.LBB2_4:
0x2c: {  	s23 =	sshll.u32 s22, $0xD  }
0x2d: {  	s0 =	sadd.s32 s10, s23  }
0x2e: {  	s0 =	sshrl.u32 s0, $0x3  }
0x2f: {  	s3 =	sadd.s32 s1, s0  }
0x30: {  	[tilespmem:s16], [sflag:$0x2] =	stream.linear.gather [hbm4b:s3+s21], $0x1000, $0x38;
	[tilespmem:$0x8080] =	vst v63  }
0x31: {  	s0 =	sadd.s32 s2, s0  }
0x32: {  	[tilespmem:s17], [sflag:$0x2] =	stream.linear.gather [hbm4b:s0+s21], $0x1000, $0x38;
	[tilespmem:$0x8080] =	vst v63  }
0x33: {  	_ =	swait.ge [sflag:s7], $0x1000  }
0x34: {  	p0 =	por $0x0, $0x0;
	s0 =	simm.s32 $0x1;
	[sflag:s7] =	ssyncset.done $0x0  }
0x35: {  	s0 =	simm.s32 @!p0 $0x0;
	[sflag:s7] =	ssyncadd.s32 $0xFFFFF000  }
0x36: {  	s0 =	sshll.u32 s0, $0xB;
	_ =	swait.ge [sflag:s7], $0x1000  }
0x37: {  	s30 =	sadd.s32 $0x0, s0;
	[sflag:s7] =	ssyncset.done $0x0  }
0x38: {  	s0 =	sor.u32 $0x470, s30;
	[sflag:s7] =	ssyncadd.s32 $0xFFFFF000  }
0x39: {  	s26 =	sor.u32 $0x40, s30;
	v5 =	vld [tilespmem:s0+$0x2000]  }
0x3a: {  	v6 =	vld [tilespmem:s26+$0x2000]  }
0x3b: {  	s28 =	sor.u32 $0x50, s30;
	v7 =	vld [tilespmem:s0+$0x0]  }
0x3c: {  	s25 =	sor.u32 $0x60, s30;
	v8 =	vld [tilespmem:s28+$0x2000]  }
0x3d: {  	s13 =	sor.u32 $0x70, s30;
	v9 =	vld [tilespmem:s25+$0x2000]  }
0x3e: {  	s4 =	sor.u32 $0x440, s30;
	v10 =	vld [tilespmem:s13+$0x2000]  }
0x3f: {  	s24 =	sand.u32 $0x800, s21;
	s29 =	sand.u32 $0x380, s21;
	s31 =	sor.u32 $0x450, s30;
	v11 =	vld [tilespmem:s4+$0x2000]  }
0x40: {  	s24 =	sor.u32 s29, s24;
	v13 =	vld [tilespmem:s31+$0x2000]  }
0x41: {  	v17 =	vld [tilespmem:s24+$0x2010]  }
0x42: {  	v21 =	vld [tilespmem:s24+$0x2030]  }
0x43: {  	v23 =	vld [tilespmem:s24+$0x2400]  }
0x44: {  	v25 =	vld [tilespmem:s24+$0x2410];
	vm0 =	veq.s32 v5, $0x0;
	vm1 =	veq.s32 v6, $0x0;
	v14 =	vshll.u32 v6, $0xD  }
0x45: {  	v28 =	vld [tilespmem:s24+$0x2420];
	vm14 =	veq.s32 v8, $0x0;
	v15 =	vshll.u32 v8, $0xD;
	vm15 =	veq.s32 v9, $0x0  }
0x46: {  	v32 =	vld [tilespmem:s24+$0x2430];
	vm4 =	veq.s32 v10, $0x0;
	v19 =	vshll.u32 v9, $0xD;
	vm5 =	veq.s32 v11, $0x0  }
0x47: {  	v39 =	vld [tilespmem:s13+$0x0];
	vm6 =	veq.s32 v13, $0x0;
	v5 =	vshll.u32 v5, $0xD;
	vm9 =	veq.s32 v17, $0x0  }
0x48: {  	v41 =	vld [tilespmem:s4+$0x0];
	v30 =	vshll.u32 v10, $0xD;
	v33 =	vshll.u32 v11, $0xD;
	vm11 =	veq.s32 v21, $0x0  }
0x49: {  	v55 =	vld [tilespmem:s24+$0x10];
	v35 =	vshll.u32 v13, $0xD;
	vm12 =	veq.s32 v23, $0x0;
	vm13 =	veq.s32 v25, $0x0  }
0x4a: {  	v8 =	vld [tilespmem:s24+$0x2000];
	v13 =	vshll.u32 v23, $0xD;
	v12 =	vsel vm0, v4, v2;
	v16 =	vsel vm14, v4, v2  }
0x4b: {  	v10 =	vld [tilespmem:s26+$0x0];
	v18 =	vsel vm15, v4, v2;
	v20 =	vsel vm4, v4, v2;
	v22 =	vsel vm5, v4, v2  }
0x4c: {  	s3 =	sor.u32 $0x460, s30;
	v11 =	vld [tilespmem:s28+$0x0];
	v24 =	vsel vm6, v4, v2;
	v31 =	vsel vm9, v4, v2;
	v6 =	vmul.f32 v12, v7  }
0x4d: {  	v36 =	vsel vm11, v4, v2;
	v37 =	vsel vm12, v4, v2;
	vm14 =	veq.s32 v28, $0x0;
	v7 =	vld [tilespmem:s3+$0x2000]  }
0x4e: {  	v20 =	vmul.f32 v20, v39;
	v22 =	vmul.f32 v22, v41;
	v6 =	vadd.f32 v6, v3  }
0x4f: {  	v9 =	vld [tilespmem:s24+$0x2020];
	vm15 =	veq.s32 v32, $0x0;
	v12 =	vsel vm1, v4, v2;
	v31 =	vmul.f32 v31, v55  }
0x50: {  	v20 =	vadd.f32 v20, v3;
	v22 =	vadd.f32 v22, v3;
	v6 =	vtrunc.f32 v6  }
0x51: {  	v31 =	vadd.f32 v31, v3;
	vm8 =	veq.s32 v8, $0x0;
	v6 =	vcvt.f32.s32 v6  }
0x52: {  	v10 =	vmul.f32 v12, v10;
	v12 =	vmul.f32 v16, v11;
	v16 =	vld [tilespmem:s31+$0x0];
	vm7 =	veq.s32 v7, $0x0  }
0x53: {  	v27 =	vadd.s32 v6, v5;
	v6 =	vshll.u32 v7, $0xD;
	v7 =	vshll.u32 v17, $0xD;
	v17 =	vld [tilespmem:s25+$0x0]  }
0x54: {  	vm10 =	veq.s32 v9, $0x0;
	v11 =	vshll.u32 v25, $0xD;
	v25 =	vld [tilespmem:s3+$0x0];
	v29 =	vsel vm8, v4, v2  }
0x55: {  	v56 =	vld [tilespmem:s24+$0x20];
	v34 =	vsel vm10, v4, v2;
	v20 =	vtrunc.f32 v20;
	v58 =	vtrunc.f32 v22  }
0x56: {  	v59 =	vld [tilespmem:s24+$0x430];
	v31 =	vtrunc.f32 v31;
	v23 =	vadd.f32 v10, v3;
	v10 =	vshll.u32 v28, $0xD  }
0x57: {  	v28 =	vadd.f32 v12, v3;
	v26 =	vsel vm7, v4, v2;
	v16 =	vmul.f32 v24, v16;
	v24 =	vld [tilespmem:s24+$0x30]  }
0x58: {  	v5 =	vshll.u32 v8, $0xD;
	v8 =	vshll.u32 v9, $0xD;
	v17 =	vmul.f32 v18, v17;
	v18 =	vld [tilespmem:s24+$0x0]  }
0x59: {  	v9 =	vshll.u32 v21, $0xD;
	v23 =	vtrunc.f32 v23;
	v25 =	vmul.f32 v26, v25  }
0x5a: {  	v21 =	vsel vm15, v4, v2;
	v28 =	vtrunc.f32 v28;
	v23 =	vcvt.f32.s32 v23  }
0x5b: {  	v26 =	vld [tilespmem:s24+$0x400];
	v21 =	vmul.f32 v21, v59;
	v16 =	vadd.f32 v16, v3;
	v22 =	vadd.f32 v25, v3  }
0x5c: {  	v25 =	vmul.f32 v34, v56;
	v63 =	vadd.s32 v23, v14;
	v14 =	vcvt.f32.s32 v20  }
0x5d: {  	v38 =	vsel vm13, v4, v2;
	v24 =	vmul.f32 v36, v24;
	v18 =	vmul.f32 v29, v18;
	v29 =	vld [tilespmem:s24+$0x410]  }
0x5e: {  	v57 =	vld [tilespmem:s24+$0x420];
	v40 =	vsel vm14, v4, v2;
	v20 =	vcvt.f32.s32 v31;
	v16 =	vtrunc.f32 v16  }
0x5f: {  	v60 =	vtrunc.f32 v22;
	v17 =	vadd.f32 v17, v3;
	v24 =	vadd.f32 v24, v3  }
0x60: {  	v22 =	vadd.f32 v25, v3;
	v25 =	vmul.f32 v37, v26;
	v16 =	vcvt.f32.s32 v16  }
0x61: {  	v12 =	vshll.u32 v32, $0xD;
	v17 =	vtrunc.f32 v17;
	v61 =	vtrunc.f32 v24  }
0x62: {  	v17 =	vcvt.f32.s32 v17;
	v18 =	vadd.f32 v18, v3;
	v26 =	vmul.f32 v38, v29  }
0x63: {  	v29 =	vtrunc.f32 v22;
	v22 =	vadd.f32 v25, v3;
	v25 =	vmul.f32 v40, v57  }
0x64: {  	[tilespmem:v27+s18+$0x0] =	vst.idx.add.f32.msk $0xffff, v1;
	v18 =	vtrunc.f32 v18;
	v27 =	vcvt.f32.s32 v29;
	v24 =	vadd.f32 v26, v3  }
0x65: {  	v26 =	vcvt.f32.s32 v28;
	v28 =	vtrunc.f32 v22;
	v22 =	vadd.f32 v25, v3  }
0x66: {  	v14 =	vadd.s32 v14, v30;
	v25 =	vcvt.f32.s32 v60;
	v62 =	vtrunc.f32 v24  }
0x67: {  	v24 =	vadd.f32 v21, v3;
	v21 =	vtrunc.f32 v22;
	v23 =	vadd.s32 v26, v15  }
0x68: {  	v15 =	vcvt.f32.s32 v58;
	v26 =	vadd.s32 v17, v19;
	v19 =	vcvt.f32.s32 v28  }
0x69: {  	p0 =	por !p0, !p0;
	v16 =	vadd.s32 v16, v35;
	v17 =	vcvt.f32.s32 v62;
	v22 =	vtrunc.f32 v24  }
0x6a: {  	s26 =	simm.s32 $0x0;
	s25 =	simm.s32 $0x0;
	[tilespmem:v63+s18+$0x0] =	vst.idx.add.f32.msk $0xffff, v1;
	s24 =	simm.s32 $0x0;
	v24 =	vcvt.f32.s32 v18;
	v18 =	vcvt.f32.s32 v61;
	v15 =	vadd.s32 v15, v33  }
.LBB2_5:
0x6b: {  	s0 =	simm.s32 $0x1  }
0x6c: {  	s24 =	sadd.s32 $0x10, s24;
	[tilespmem:v23+s18+$0x0] =	vst.idx.add.f32.msk $0xffff, v1;
	v28 =	vcvt.f32.s32 v21;
	v29 =	vcvt.f32.s32 v22;
	v25 =	vadd.s32 v25, v6;
	s25 =	sadd.s32 $0x800, s25;
	s0 =	simm.s32 @!p0 $0x0  }
0x6d: {  	v24 =	vadd.s32 v24, v5;
	v23 =	vadd.s32 v20, v7;
	v21 =	vadd.s32 v27, v8;
	s26 =	sadd.s32 $0x40, s26;
	p1 =	slt.u32 s24, $0xF0;
	s0 =	sshll.u32 s0, $0xB  }
0x6e: {  	v22 =	vadd.s32 v18, v9;
	s28 =	sand.u32 $0x800, s25;
	s31 =	sand.u32 $0x380, s26;
	v20 =	vadd.s32 v19, v13;
	v18 =	vadd.s32 v17, v11;
	s29 =	sadd.s32 s0, s26  }
0x6f: {  	v19 =	vadd.s32 v28, v10;
	v17 =	vadd.s32 v29, v12;
	s13 =	sor.u32 $0x40, s29;
	s4 =	sor.u32 $0x50, s29;
	s5 =	sor.u32 $0x470, s29;
	[tilespmem:v26+s18+$0x0] =	vst.idx.add.f32.msk $0xffff, v1  }
0x70: {  	s0 =	sor.u32 $0x60, s29;
	s3 =	sor.u32 $0x70, s29;
	s30 =	sor.u32 $0x440, s29;
	v5 =	vld [tilespmem:s5+$0x2000]  }
0x71: {  	s28 =	sor.u32 s31, s28;
	s31 =	sor.u32 $0x450, s29;
	s29 =	sor.u32 $0x460, s29;
	v6 =	vld [tilespmem:s13+$0x2000]  }
0x72: {  	v7 =	vld [tilespmem:s5+$0x0]  }
0x73: {  	v8 =	vld [tilespmem:s4+$0x2000]  }
0x74: {  	v9 =	vld [tilespmem:s0+$0x2000]  }
0x75: {  	v10 =	vld [tilespmem:s3+$0x2000];
	vm0 =	veq.s32 v5, $0x0  }
0x76: {  	vm1 =	veq.s32 v6, $0x0;
	v26 =	vshll.u32 v6, $0xD;
	v6 =	vld [tilespmem:s30+$0x2000];
	v11 =	vsel vm0, v4, v2  }
0x77: {  	v12 =	vsel vm1, v4, v2;
	v13 =	vld [tilespmem:s31+$0x2000];
	v7 =	vmul.f32 v11, v7  }
0x78: {  	vm0 =	veq.s32 v8, $0x0;
	v27 =	vshll.u32 v8, $0xD;
	v8 =	vld [tilespmem:s29+$0x2000]  }
0x79: {  	v11 =	vld [tilespmem:s28+$0x2000];
	v32 =	vsel vm0, v4, v2;
	vm0 =	veq.s32 v9, $0x0;
	v7 =	vadd.f32 v7, v3  }
0x7a: {  	v28 =	vshll.u32 v9, $0xD;
	v33 =	vld [tilespmem:s28+$0x2010];
	v34 =	vsel vm0, v4, v2;
	vm0 =	veq.s32 v10, $0x0  }
0x7b: {  	v9 =	vld [tilespmem:s28+$0x2020];
	v35 =	vsel vm0, v4, v2;
	vm0 =	veq.s32 v6, $0x0;
	v7 =	vtrunc.f32 v7  }
0x7c: {  	v36 =	vld [tilespmem:s28+$0x2030];
	v37 =	vsel vm0, v4, v2;
	vm0 =	veq.s32 v13, $0x0;
	v7 =	vcvt.f32.s32 v7  }
0x7d: {  	v5 =	vshll.u32 v5, $0xD;
	v38 =	vld [tilespmem:s28+$0x2400];
	v39 =	vsel vm0, v4, v2;
	vm0 =	veq.s32 v8, $0x0  }
0x7e: {  	vm1 =	veq.s32 v11, $0x0;
	v40 =	vld [tilespmem:s28+$0x2410];
	v41 =	vsel vm0, v4, v2;
	v7 =	vadd.s32 v7, v5  }
0x7f: {  	v29 =	vshll.u32 v10, $0xD;
	v42 =	vsel vm1, v4, v2;
	vm0 =	veq.s32 v33, $0x0;
	v10 =	vld [tilespmem:s28+$0x2420]  }
0x80: {  	v31 =	vshll.u32 v6, $0xD;
	v43 =	vsel vm0, v4, v2;
	vm0 =	veq.s32 v9, $0x0;
	v44 =	vld [tilespmem:s28+$0x2430]  }
0x81: {  	v30 =	vshll.u32 v13, $0xD;
	v45 =	vsel vm0, v4, v2;
	vm0 =	veq.s32 v36, $0x0;
	v46 =	vld [tilespmem:s13+$0x0]  }
0x82: {  	v6 =	vshll.u32 v8, $0xD;
	v47 =	vsel vm0, v4, v2;
	v13 =	vld [tilespmem:s4+$0x0];
	vm0 =	veq.s32 v38, $0x0  }
0x83: {  	v5 =	vshll.u32 v11, $0xD;
	v48 =	vsel vm0, v4, v2;
	vm0 =	veq.s32 v40, $0x0;
	[tilespmem:v7+s18+$0x0] =	vst.idx.add.f32.msk $0xffff, v1  }
0x84: {  	v7 =	vshll.u32 v33, $0xD;
	v33 =	vld [tilespmem:s0+$0x0];
	v49 =	vsel vm0, v4, v2;
	vm0 =	veq.s32 v10, $0x0  }
0x85: {  	v8 =	vshll.u32 v9, $0xD;
	v50 =	vld [tilespmem:s3+$0x0];
	v51 =	vsel vm0, v4, v2;
	vm0 =	veq.s32 v44, $0x0  }
0x86: {  	v9 =	vshll.u32 v36, $0xD;
	v12 =	vmul.f32 v12, v46;
	v36 =	vsel vm0, v4, v2;
	v46 =	vld [tilespmem:s30+$0x0]  }
0x87: {  	v11 =	vshll.u32 v40, $0xD;
	v32 =	vmul.f32 v32, v13;
	v13 =	vshll.u32 v38, $0xD;
	v38 =	vld [tilespmem:s31+$0x0]  }
0x88: {  	v10 =	vshll.u32 v10, $0xD;
	v40 =	vadd.f32 v12, v3;
	v12 =	vshll.u32 v44, $0xD;
	v44 =	vld [tilespmem:s29+$0x0]  }
0x89: {  	v52 =	vld [tilespmem:s28+$0x0];
	v32 =	vadd.f32 v32, v3;
	v33 =	vmul.f32 v34, v33  }
0x8a: {  	v34 =	vld [tilespmem:s28+$0x10];
	v40 =	vtrunc.f32 v40;
	v35 =	vmul.f32 v35, v50  }
0x8b: {  	v50 =	vld [tilespmem:s28+$0x20];
	v32 =	vtrunc.f32 v32;
	v33 =	vadd.f32 v33, v3;
	v37 =	vmul.f32 v37, v46  }
0x8c: {  	v40 =	vcvt.f32.s32 v40;
	v46 =	vld [tilespmem:s28+$0x30];
	v35 =	vadd.f32 v35, v3;
	v38 =	vmul.f32 v39, v38  }
0x8d: {  	v33 =	vtrunc.f32 v33;
	v39 =	vld [tilespmem:s28+$0x400];
	v37 =	vadd.f32 v37, v3;
	v41 =	vmul.f32 v41, v44  }
0x8e: {  	v42 =	vmul.f32 v42, v52;
	v35 =	vtrunc.f32 v35;
	v44 =	vld [tilespmem:s28+$0x410];
	v38 =	vadd.f32 v38, v3  }
0x8f: {  	v34 =	vmul.f32 v43, v34;
	v43 =	vld [tilespmem:s28+$0x420];
	v37 =	vtrunc.f32 v37;
	v41 =	vadd.f32 v41, v3  }
0x90: {  	v42 =	vadd.f32 v42, v3;
	v45 =	vmul.f32 v45, v50;
	v50 =	vld [tilespmem:s28+$0x430];
	v38 =	vtrunc.f32 v38  }
0x91: {  	v34 =	vadd.f32 v34, v3;
	v46 =	vmul.f32 v47, v46;
	v41 =	vtrunc.f32 v41;
	[tilespmem:v14+s18+$0x0] =	vst.idx.add.f32.msk $0xffff, v1  }
0x92: {  	v14 =	vtrunc.f32 v42;
	v42 =	vadd.f32 v45, v3;
	v39 =	vmul.f32 v48, v39;
	[tilespmem:v15+s18+$0x0] =	vst.idx.add.f32.msk $0xffff, v1  }
0x93: {  	v15 =	vtrunc.f32 v34;
	v34 =	vadd.f32 v46, v3;
	v44 =	vmul.f32 v49, v44;
	[tilespmem:v16+s18+$0x0] =	vst.idx.add.f32.msk $0xffff, v1  }
0x94: {  	v16 =	vtrunc.f32 v42;
	v39 =	vadd.f32 v39, v3;
	v42 =	vmul.f32 v51, v43;
	[tilespmem:v25+s18+$0x0] =	vst.idx.add.f32.msk $0xffff, v1  }
0x95: {  	v34 =	vtrunc.f32 v34;
	v25 =	vadd.f32 v44, v3;
	v36 =	vmul.f32 v36, v50;
	[tilespmem:v24+s18+$0x0] =	vst.idx.add.f32.msk $0xffff, v1  }
0x96: {  	v24 =	vcvt.f32.s32 v32;
	v32 =	vtrunc.f32 v39;
	v39 =	vadd.f32 v42, v3;
	[tilespmem:v23+s18+$0x0] =	vst.idx.add.f32.msk $0xffff, v1  }
0x97: {  	v33 =	vcvt.f32.s32 v33;
	v42 =	vtrunc.f32 v25;
	v25 =	vadd.f32 v36, v3;
	[tilespmem:v21+s18+$0x0] =	vst.idx.add.f32.msk $0xffff, v1  }
0x98: {  	v35 =	vcvt.f32.s32 v35;
	v36 =	vadd.s32 v40, v26;
	v21 =	vtrunc.f32 v39;
	[tilespmem:v22+s18+$0x0] =	vst.idx.add.f32.msk $0xffff, v1  }
.Ltmp1:
0x99: {  	v37 =	vcvt.f32.s32 v37;
	v23 =	vadd.s32 v24, v27;
	v22 =	vtrunc.f32 v25;
	[tilespmem:v20+s18+$0x0] =	vst.idx.add.f32.msk $0xffff, v1;
	(pc) =	sbr.rel @p1 .LBB2_5-.Ltmp1, $4  }
0x9a: {  	v26 =	vadd.s32 v33, v28;
	v28 =	vcvt.f32.s32 v38;
	v25 =	vcvt.f32.s32 v41;
	[tilespmem:v18+s18+$0x0] =	vst.idx.add.f32.msk $0xffff, v1  }
0x9b: {  	v24 =	vcvt.f32.s32 v14;
	v14 =	vadd.s32 v35, v29;
	v20 =	vcvt.f32.s32 v15;
	[tilespmem:v19+s18+$0x0] =	vst.idx.add.f32.msk $0xffff, v1  }
0x9c: {  	v27 =	vcvt.f32.s32 v16;
	v15 =	vadd.s32 v37, v31;
	v18 =	vcvt.f32.s32 v34;
	[tilespmem:v17+s18+$0x0] =	vst.idx.add.f32.msk $0xffff, v1  }
0x9d: {  	p0 =	por !p0, !p0;
	v16 =	vadd.s32 v28, v30;
	v19 =	vcvt.f32.s32 v32;
	v17 =	vcvt.f32.s32 v42;
	[tilespmem:v36+s18+$0x0] =	vst.idx.add.f32.msk $0xffff, v1  }
0x9e: {  	_ =	sdelay $0x3  }
0x9f: {  	[tilespmem:v23+s18+$0x0] =	vst.idx.add.f32.msk $0xffff, v1;
	v6 =	vadd.s32 v25, v6  }
0xa0: {  	v5 =	vadd.s32 v24, v5;
	[tilespmem:v26+s18+$0x0] =	vst.idx.add.f32.msk $0xffff, v1  }
0xa1: {  	v7 =	vadd.s32 v20, v7;
	[tilespmem:v14+s18+$0x0] =	vst.idx.add.f32.msk $0xffff, v1  }
0xa2: {  	v8 =	vadd.s32 v27, v8;
	[tilespmem:v15+s18+$0x0] =	vst.idx.add.f32.msk $0xffff, v1  }
0xa3: {  	v9 =	vadd.s32 v18, v9;
	[tilespmem:v16+s18+$0x0] =	vst.idx.add.f32.msk $0xffff, v1  }
0xa4: {  	v14 =	vcvt.f32.s32 v21;
	v13 =	vadd.s32 v19, v13;
	[tilespmem:v6+s18+$0x0] =	vst.idx.add.f32.msk $0xffff, v1  }
0xa5: {  	v11 =	vadd.s32 v17, v11;
	v6 =	vcvt.f32.s32 v22;
	[tilespmem:v5+s18+$0x0] =	vst.idx.add.f32.msk $0xffff, v1  }
0xa6: {  	v5 =	vadd.s32 v14, v10;
	[tilespmem:v7+s18+$0x0] =	vst.idx.add.f32.msk $0xffff, v1  }
0xa7: {  	[tilespmem:v8+s18+$0x0] =	vst.idx.add.f32.msk $0xffff, v1;
	v6 =	vadd.s32 v6, v12  }
0xa8: {  	s0 =	sadd.s32 $0x2000, s23;
	[tilespmem:v9+s18+$0x0] =	vst.idx.add.f32.msk $0xffff, v1  }
0xa9: {  	s0 =	sand.u32 $0x1E000, s0;
	[tilespmem:v13+s18+$0x0] =	vst.idx.add.f32.msk $0xffff, v1  }
0xaa: {  	s0 =	sor.u32 s6, s0;
	[tilespmem:v11+s18+$0x0] =	vst.idx.add.f32.msk $0xffff, v1  }
0xab: {  	s0 =	sshrl.u32 s0, $0x3;
	[tilespmem:v5+s18+$0x0] =	vst.idx.add.f32.msk $0xffff, v1  }
0xac: {  	s23 =	simm.s32 $0x0;
	s3 =	sadd.s32 s1, s0;
	[tilespmem:v6+s18+$0x0] =	vst.idx.add.f32.msk $0xffff, v1  }
0xad: {  	[tilespmem:s23], [sflag:$0x1] =	stream.linear.gather [hbm4b:s3+s23], $0x1000, $0x38;
	[tilespmem:$0x8080] =	vst v63  }
0xae: {  	s0 =	sadd.s32 s2, s0  }
0xaf: {  	[tilespmem:s15], [sflag:$0x1] =	stream.linear.gather [hbm4b:s0+s23], $0x1000, $0x38;
	[tilespmem:$0x8080] =	vst v63  }
0xb0: {  	_ =	swait.ge [sflag:s19], $0x1000  }
0xb1: {  	p0 =	por $0x0, $0x0;
	s0 =	simm.s32 $0x1;
	[sflag:s19] =	ssyncset.done $0x0  }
0xb2: {  	s0 =	simm.s32 @!p0 $0x0;
	[sflag:s19] =	ssyncadd.s32 $0xFFFFF000  }
0xb3: {  	s0 =	sshll.u32 s0, $0xB;
	_ =	swait.ge [sflag:s19], $0x1000  }
0xb4: {  	s30 =	sadd.s32 $0x0, s0;
	[sflag:s19] =	ssyncset.done $0x0  }
0xb5: {  	s0 =	sor.u32 $0x470, s30;
	[sflag:s19] =	ssyncadd.s32 $0xFFFFF000  }
0xb6: {  	s5 =	sor.u32 $0x40, s30;
	v5 =	vld [tilespmem:s0+$0x3000]  }
0xb7: {  	v6 =	vld [tilespmem:s5+$0x3000]  }
0xb8: {  	s26 =	sor.u32 $0x50, s30;
	v7 =	vld [tilespmem:s0+$0x1000]  }
0xb9: {  	s25 =	sor.u32 $0x60, s30;
	v8 =	vld [tilespmem:s26+$0x3000]  }
0xba: {  	s13 =	sor.u32 $0x70, s30;
	v9 =	vld [tilespmem:s25+$0x3000]  }
0xbb: {  	s4 =	sor.u32 $0x440, s30;
	v10 =	vld [tilespmem:s13+$0x3000]  }
0xbc: {  	s24 =	sand.u32 $0x800, s23;
	s28 =	sand.u32 $0x380, s23;
	s31 =	sor.u32 $0x450, s30;
	v11 =	vld [tilespmem:s4+$0x3000]  }
0xbd: {  	s24 =	sor.u32 s28, s24;
	v13 =	vld [tilespmem:s31+$0x3000]  }
0xbe: {  	v17 =	vld [tilespmem:s24+$0x3010]  }
0xbf: {  	v21 =	vld [tilespmem:s24+$0x3030]  }
0xc0: {  	v23 =	vld [tilespmem:s24+$0x3400]  }
0xc1: {  	v25 =	vld [tilespmem:s24+$0x3410];
	vm0 =	veq.s32 v5, $0x0;
	vm1 =	veq.s32 v6, $0x0;
	v14 =	vshll.u32 v6, $0xD  }
0xc2: {  	v28 =	vld [tilespmem:s24+$0x3420];
	vm14 =	veq.s32 v8, $0x0;
	v15 =	vshll.u32 v8, $0xD;
	vm15 =	veq.s32 v9, $0x0  }
0xc3: {  	v32 =	vld [tilespmem:s24+$0x3430];
	vm4 =	veq.s32 v10, $0x0;
	v19 =	vshll.u32 v9, $0xD;
	vm5 =	veq.s32 v11, $0x0  }
0xc4: {  	v39 =	vld [tilespmem:s13+$0x1000];
	vm6 =	veq.s32 v13, $0x0;
	v5 =	vshll.u32 v5, $0xD;
	vm9 =	veq.s32 v17, $0x0  }
0xc5: {  	v41 =	vld [tilespmem:s4+$0x1000];
	v30 =	vshll.u32 v10, $0xD;
	v33 =	vshll.u32 v11, $0xD;
	vm11 =	veq.s32 v21, $0x0  }
0xc6: {  	v55 =	vld [tilespmem:s24+$0x1010];
	v35 =	vshll.u32 v13, $0xD;
	vm12 =	veq.s32 v23, $0x0;
	vm13 =	veq.s32 v25, $0x0  }
0xc7: {  	v8 =	vld [tilespmem:s24+$0x3000];
	v13 =	vshll.u32 v23, $0xD;
	v12 =	vsel vm0, v4, v2;
	v16 =	vsel vm14, v4, v2  }
0xc8: {  	v10 =	vld [tilespmem:s5+$0x1000];
	v18 =	vsel vm15, v4, v2;
	v20 =	vsel vm4, v4, v2;
	v22 =	vsel vm5, v4, v2  }
0xc9: {  	s3 =	sor.u32 $0x460, s30;
	v11 =	vld [tilespmem:s26+$0x1000];
	v24 =	vsel vm6, v4, v2;
	v31 =	vsel vm9, v4, v2;
	v6 =	vmul.f32 v12, v7  }
0xca: {  	v36 =	vsel vm11, v4, v2;
	v37 =	vsel vm12, v4, v2;
	vm14 =	veq.s32 v28, $0x0;
	v7 =	vld [tilespmem:s3+$0x3000]  }
0xcb: {  	v20 =	vmul.f32 v20, v39;
	v22 =	vmul.f32 v22, v41;
	v6 =	vadd.f32 v6, v3  }
0xcc: {  	v9 =	vld [tilespmem:s24+$0x3020];
	vm15 =	veq.s32 v32, $0x0;
	v12 =	vsel vm1, v4, v2;
	v31 =	vmul.f32 v31, v55  }
0xcd: {  	v20 =	vadd.f32 v20, v3;
	v22 =	vadd.f32 v22, v3;
	v6 =	vtrunc.f32 v6  }
0xce: {  	v31 =	vadd.f32 v31, v3;
	vm8 =	veq.s32 v8, $0x0;
	v6 =	vcvt.f32.s32 v6  }
0xcf: {  	v10 =	vmul.f32 v12, v10;
	v12 =	vmul.f32 v16, v11;
	v16 =	vld [tilespmem:s31+$0x1000];
	vm7 =	veq.s32 v7, $0x0  }
0xd0: {  	v27 =	vadd.s32 v6, v5;
	v6 =	vshll.u32 v7, $0xD;
	v7 =	vshll.u32 v17, $0xD;
	v17 =	vld [tilespmem:s25+$0x1000]  }
0xd1: {  	vm10 =	veq.s32 v9, $0x0;
	v11 =	vshll.u32 v25, $0xD;
	v25 =	vld [tilespmem:s3+$0x1000];
	v29 =	vsel vm8, v4, v2  }
0xd2: {  	v56 =	vld [tilespmem:s24+$0x1020];
	v34 =	vsel vm10, v4, v2;
	v20 =	vtrunc.f32 v20;
	v58 =	vtrunc.f32 v22  }
0xd3: {  	v59 =	vld [tilespmem:s24+$0x1430];
	v31 =	vtrunc.f32 v31;
	v23 =	vadd.f32 v10, v3;
	v10 =	vshll.u32 v28, $0xD  }
0xd4: {  	v28 =	vadd.f32 v12, v3;
	v26 =	vsel vm7, v4, v2;
	v16 =	vmul.f32 v24, v16;
	v24 =	vld [tilespmem:s24+$0x1030]  }
0xd5: {  	v5 =	vshll.u32 v8, $0xD;
	v8 =	vshll.u32 v9, $0xD;
	v17 =	vmul.f32 v18, v17;
	v18 =	vld [tilespmem:s24+$0x1000]  }
0xd6: {  	v9 =	vshll.u32 v21, $0xD;
	v23 =	vtrunc.f32 v23;
	v25 =	vmul.f32 v26, v25  }
0xd7: {  	v21 =	vsel vm15, v4, v2;
	v28 =	vtrunc.f32 v28;
	v23 =	vcvt.f32.s32 v23  }
0xd8: {  	v26 =	vld [tilespmem:s24+$0x1400];
	v21 =	vmul.f32 v21, v59;
	v16 =	vadd.f32 v16, v3;
	v22 =	vadd.f32 v25, v3  }
0xd9: {  	v25 =	vmul.f32 v34, v56;
	v63 =	vadd.s32 v23, v14;
	v14 =	vcvt.f32.s32 v20  }
0xda: {  	v38 =	vsel vm13, v4, v2;
	v24 =	vmul.f32 v36, v24;
	v18 =	vmul.f32 v29, v18;
	v29 =	vld [tilespmem:s24+$0x1410]  }
0xdb: {  	v57 =	vld [tilespmem:s24+$0x1420];
	v40 =	vsel vm14, v4, v2;
	v20 =	vcvt.f32.s32 v31;
	v16 =	vtrunc.f32 v16  }
0xdc: {  	v60 =	vtrunc.f32 v22;
	v17 =	vadd.f32 v17, v3;
	v24 =	vadd.f32 v24, v3  }
0xdd: {  	v22 =	vadd.f32 v25, v3;
	v25 =	vmul.f32 v37, v26;
	v16 =	vcvt.f32.s32 v16  }
0xde: {  	v12 =	vshll.u32 v32, $0xD;
	v17 =	vtrunc.f32 v17;
	v61 =	vtrunc.f32 v24  }
0xdf: {  	v17 =	vcvt.f32.s32 v17;
	v18 =	vadd.f32 v18, v3;
	v26 =	vmul.f32 v38, v29  }
0xe0: {  	v29 =	vtrunc.f32 v22;
	v22 =	vadd.f32 v25, v3;
	v25 =	vmul.f32 v40, v57  }
0xe1: {  	[tilespmem:v27+s18+$0x0] =	vst.idx.add.f32.msk $0xffff, v1;
	v18 =	vtrunc.f32 v18;
	v27 =	vcvt.f32.s32 v29;
	v24 =	vadd.f32 v26, v3  }
0xe2: {  	v26 =	vcvt.f32.s32 v28;
	v28 =	vtrunc.f32 v22;
	v22 =	vadd.f32 v25, v3  }
0xe3: {  	v14 =	vadd.s32 v14, v30;
	v25 =	vcvt.f32.s32 v60;
	v62 =	vtrunc.f32 v24  }
0xe4: {  	v24 =	vadd.f32 v21, v3;
	v21 =	vtrunc.f32 v22;
	v23 =	vadd.s32 v26, v15  }
0xe5: {  	v15 =	vcvt.f32.s32 v58;
	v26 =	vadd.s32 v17, v19;
	v19 =	vcvt.f32.s32 v28  }
0xe6: {  	v16 =	vadd.s32 v16, v35;
	v17 =	vcvt.f32.s32 v62;
	v22 =	vtrunc.f32 v24  }
0xe7: {  	p0 =	por !p0, !p0;
	s25 =	simm.s32 $0x0;
	[tilespmem:v63+s18+$0x0] =	vst.idx.add.f32.msk $0xffff, v1;
	s24 =	simm.s32 $0x0;
	v24 =	vcvt.f32.s32 v18;
	v18 =	vcvt.f32.s32 v61;
	v15 =	vadd.s32 v15, v33  }
.LBB2_7:
0xe8: {  	s0 =	simm.s32 $0x1  }
0xe9: {  	s24 =	sadd.s32 $0x10, s24;
	[tilespmem:v23+s18+$0x0] =	vst.idx.add.f32.msk $0xffff, v1;
	v28 =	vcvt.f32.s32 v21;
	v29 =	vcvt.f32.s32 v22;
	v25 =	vadd.s32 v25, v6;
	s23 =	sadd.s32 $0x800, s23;
	s0 =	simm.s32 @!p0 $0x0  }
0xea: {  	v24 =	vadd.s32 v24, v5;
	v23 =	vadd.s32 v20, v7;
	v21 =	vadd.s32 v27, v8;
	s25 =	sadd.s32 $0x40, s25;
	p1 =	slt.u32 s24, $0xF0;
	s0 =	sshll.u32 s0, $0xB  }
0xeb: {  	v22 =	vadd.s32 v18, v9;
	s26 =	sand.u32 $0x800, s23;
	s28 =	sand.u32 $0x380, s25;
	v20 =	vadd.s32 v19, v13;
	v18 =	vadd.s32 v17, v11;
	s5 =	sadd.s32 s0, s25  }
0xec: {  	v19 =	vadd.s32 v28, v10;
	v17 =	vadd.s32 v29, v12;
	s13 =	sor.u32 $0x40, s5;
	s4 =	sor.u32 $0x50, s5;
	s31 =	sor.u32 $0x470, s5;
	[tilespmem:v26+s18+$0x0] =	vst.idx.add.f32.msk $0xffff, v1  }
0xed: {  	s0 =	sor.u32 $0x60, s5;
	s3 =	sor.u32 $0x70, s5;
	s29 =	sor.u32 $0x440, s5;
	v5 =	vld [tilespmem:s31+$0x3000]  }
0xee: {  	s26 =	sor.u32 s28, s26;
	s30 =	sor.u32 $0x450, s5;
	s28 =	sor.u32 $0x460, s5;
	v6 =	vld [tilespmem:s13+$0x3000]  }
0xef: {  	v7 =	vld [tilespmem:s31+$0x1000]  }
0xf0: {  	v8 =	vld [tilespmem:s4+$0x3000]  }
0xf1: {  	v9 =	vld [tilespmem:s0+$0x3000]  }
0xf2: {  	v10 =	vld [tilespmem:s3+$0x3000];
	vm0 =	veq.s32 v5, $0x0  }
0xf3: {  	vm1 =	veq.s32 v6, $0x0;
	v26 =	vshll.u32 v6, $0xD;
	v6 =	vld [tilespmem:s29+$0x3000];
	v11 =	vsel vm0, v4, v2  }
0xf4: {  	v12 =	vsel vm1, v4, v2;
	v13 =	vld [tilespmem:s30+$0x3000];
	v7 =	vmul.f32 v11, v7  }
0xf5: {  	vm0 =	veq.s32 v8, $0x0;
	v27 =	vshll.u32 v8, $0xD;
	v8 =	vld [tilespmem:s28+$0x3000]  }
0xf6: {  	v11 =	vld [tilespmem:s26+$0x3000];
	v32 =	vsel vm0, v4, v2;
	vm0 =	veq.s32 v9, $0x0;
	v7 =	vadd.f32 v7, v3  }
0xf7: {  	v28 =	vshll.u32 v9, $0xD;
	v33 =	vld [tilespmem:s26+$0x3010];
	v34 =	vsel vm0, v4, v2;
	vm0 =	veq.s32 v10, $0x0  }
0xf8: {  	v9 =	vld [tilespmem:s26+$0x3020];
	v35 =	vsel vm0, v4, v2;
	vm0 =	veq.s32 v6, $0x0;
	v7 =	vtrunc.f32 v7  }
0xf9: {  	v36 =	vld [tilespmem:s26+$0x3030];
	v37 =	vsel vm0, v4, v2;
	vm0 =	veq.s32 v13, $0x0;
	v7 =	vcvt.f32.s32 v7  }
0xfa: {  	v5 =	vshll.u32 v5, $0xD;
	v38 =	vld [tilespmem:s26+$0x3400];
	v39 =	vsel vm0, v4, v2;
	vm0 =	veq.s32 v8, $0x0  }
0xfb: {  	vm1 =	veq.s32 v11, $0x0;
	v40 =	vld [tilespmem:s26+$0x3410];
	v41 =	vsel vm0, v4, v2;
	v7 =	vadd.s32 v7, v5  }
0xfc: {  	v29 =	vshll.u32 v10, $0xD;
	v42 =	vsel vm1, v4, v2;
	vm0 =	veq.s32 v33, $0x0;
	v10 =	vld [tilespmem:s26+$0x3420]  }
0xfd: {  	v31 =	vshll.u32 v6, $0xD;
	v43 =	vsel vm0, v4, v2;
	vm0 =	veq.s32 v9, $0x0;
	v44 =	vld [tilespmem:s26+$0x3430]  }
0xfe: {  	v30 =	vshll.u32 v13, $0xD;
	v45 =	vsel vm0, v4, v2;
	vm0 =	veq.s32 v36, $0x0;
	v46 =	vld [tilespmem:s13+$0x1000]  }
0xff: {  	v6 =	vshll.u32 v8, $0xD;
	v47 =	vsel vm0, v4, v2;
	v13 =	vld [tilespmem:s4+$0x1000];
	vm0 =	veq.s32 v38, $0x0  }
0x100: {  	v5 =	vshll.u32 v11, $0xD;
	v48 =	vsel vm0, v4, v2;
	vm0 =	veq.s32 v40, $0x0;
	[tilespmem:v7+s18+$0x0] =	vst.idx.add.f32.msk $0xffff, v1  }
0x101: {  	v7 =	vshll.u32 v33, $0xD;
	v33 =	vld [tilespmem:s0+$0x1000];
	v49 =	vsel vm0, v4, v2;
	vm0 =	veq.s32 v10, $0x0  }
0x102: {  	v8 =	vshll.u32 v9, $0xD;
	v50 =	vld [tilespmem:s3+$0x1000];
	v51 =	vsel vm0, v4, v2;
	vm0 =	veq.s32 v44, $0x0  }
0x103: {  	v9 =	vshll.u32 v36, $0xD;
	v12 =	vmul.f32 v12, v46;
	v36 =	vsel vm0, v4, v2;
	v46 =	vld [tilespmem:s29+$0x1000]  }
0x104: {  	v11 =	vshll.u32 v40, $0xD;
	v32 =	vmul.f32 v32, v13;
	v13 =	vshll.u32 v38, $0xD;
	v38 =	vld [tilespmem:s30+$0x1000]  }
0x105: {  	v10 =	vshll.u32 v10, $0xD;
	v40 =	vadd.f32 v12, v3;
	v12 =	vshll.u32 v44, $0xD;
	v44 =	vld [tilespmem:s28+$0x1000]  }
0x106: {  	v52 =	vld [tilespmem:s26+$0x1000];
	v32 =	vadd.f32 v32, v3;
	v33 =	vmul.f32 v34, v33  }
0x107: {  	v34 =	vld [tilespmem:s26+$0x1010];
	v40 =	vtrunc.f32 v40;
	v35 =	vmul.f32 v35, v50  }
0x108: {  	v50 =	vld [tilespmem:s26+$0x1020];
	v32 =	vtrunc.f32 v32;
	v33 =	vadd.f32 v33, v3;
	v37 =	vmul.f32 v37, v46  }
0x109: {  	v40 =	vcvt.f32.s32 v40;
	v46 =	vld [tilespmem:s26+$0x1030];
	v35 =	vadd.f32 v35, v3;
	v38 =	vmul.f32 v39, v38  }
0x10a: {  	v33 =	vtrunc.f32 v33;
	v39 =	vld [tilespmem:s26+$0x1400];
	v37 =	vadd.f32 v37, v3;
	v41 =	vmul.f32 v41, v44  }
0x10b: {  	v42 =	vmul.f32 v42, v52;
	v35 =	vtrunc.f32 v35;
	v44 =	vld [tilespmem:s26+$0x1410];
	v38 =	vadd.f32 v38, v3  }
0x10c: {  	v34 =	vmul.f32 v43, v34;
	v43 =	vld [tilespmem:s26+$0x1420];
	v37 =	vtrunc.f32 v37;
	v41 =	vadd.f32 v41, v3  }
0x10d: {  	v42 =	vadd.f32 v42, v3;
	v45 =	vmul.f32 v45, v50;
	v50 =	vld [tilespmem:s26+$0x1430];
	v38 =	vtrunc.f32 v38  }
0x10e: {  	v34 =	vadd.f32 v34, v3;
	v46 =	vmul.f32 v47, v46;
	v41 =	vtrunc.f32 v41;
	[tilespmem:v14+s18+$0x0] =	vst.idx.add.f32.msk $0xffff, v1  }
0x10f: {  	v14 =	vtrunc.f32 v42;
	v42 =	vadd.f32 v45, v3;
	v39 =	vmul.f32 v48, v39;
	[tilespmem:v15+s18+$0x0] =	vst.idx.add.f32.msk $0xffff, v1  }
0x110: {  	v15 =	vtrunc.f32 v34;
	v34 =	vadd.f32 v46, v3;
	v44 =	vmul.f32 v49, v44;
	[tilespmem:v16+s18+$0x0] =	vst.idx.add.f32.msk $0xffff, v1  }
0x111: {  	v16 =	vtrunc.f32 v42;
	v39 =	vadd.f32 v39, v3;
	v42 =	vmul.f32 v51, v43;
	[tilespmem:v25+s18+$0x0] =	vst.idx.add.f32.msk $0xffff, v1  }
0x112: {  	v34 =	vtrunc.f32 v34;
	v25 =	vadd.f32 v44, v3;
	v36 =	vmul.f32 v36, v50;
	[tilespmem:v24+s18+$0x0] =	vst.idx.add.f32.msk $0xffff, v1  }
0x113: {  	v24 =	vcvt.f32.s32 v32;
	v32 =	vtrunc.f32 v39;
	v39 =	vadd.f32 v42, v3;
	[tilespmem:v23+s18+$0x0] =	vst.idx.add.f32.msk $0xffff, v1  }
0x114: {  	v33 =	vcvt.f32.s32 v33;
	v42 =	vtrunc.f32 v25;
	v25 =	vadd.f32 v36, v3;
	[tilespmem:v21+s18+$0x0] =	vst.idx.add.f32.msk $0xffff, v1  }
0x115: {  	v35 =	vcvt.f32.s32 v35;
	v36 =	vadd.s32 v40, v26;
	v21 =	vtrunc.f32 v39;
	[tilespmem:v22+s18+$0x0] =	vst.idx.add.f32.msk $0xffff, v1  }
.Ltmp2:
0x116: {  	v37 =	vcvt.f32.s32 v37;
	v23 =	vadd.s32 v24, v27;
	v22 =	vtrunc.f32 v25;
	[tilespmem:v20+s18+$0x0] =	vst.idx.add.f32.msk $0xffff, v1;
	(pc) =	sbr.rel @p1 .LBB2_7-.Ltmp2, $4  }
0x117: {  	v26 =	vadd.s32 v33, v28;
	v28 =	vcvt.f32.s32 v38;
	v25 =	vcvt.f32.s32 v41;
	[tilespmem:v18+s18+$0x0] =	vst.idx.add.f32.msk $0xffff, v1  }
0x118: {  	v24 =	vcvt.f32.s32 v14;
	v14 =	vadd.s32 v35, v29;
	v20 =	vcvt.f32.s32 v15;
	[tilespmem:v19+s18+$0x0] =	vst.idx.add.f32.msk $0xffff, v1  }
0x119: {  	v27 =	vcvt.f32.s32 v16;
	v15 =	vadd.s32 v37, v31;
	v18 =	vcvt.f32.s32 v34;
	[tilespmem:v17+s18+$0x0] =	vst.idx.add.f32.msk $0xffff, v1  }
0x11a: {  	p0 =	por !p0, !p0;
	v16 =	vadd.s32 v28, v30;
	v19 =	vcvt.f32.s32 v32;
	v17 =	vcvt.f32.s32 v42;
	[tilespmem:v36+s18+$0x0] =	vst.idx.add.f32.msk $0xffff, v1  }
0x11b: {  	_ =	sdelay $0x3  }
0x11c: {  	[tilespmem:v23+s18+$0x0] =	vst.idx.add.f32.msk $0xffff, v1;
	v6 =	vadd.s32 v25, v6  }
0x11d: {  	v5 =	vadd.s32 v24, v5;
	[tilespmem:v26+s18+$0x0] =	vst.idx.add.f32.msk $0xffff, v1  }
0x11e: {  	v7 =	vadd.s32 v20, v7;
	[tilespmem:v14+s18+$0x0] =	vst.idx.add.f32.msk $0xffff, v1  }
0x11f: {  	v8 =	vadd.s32 v27, v8;
	[tilespmem:v15+s18+$0x0] =	vst.idx.add.f32.msk $0xffff, v1  }
0x120: {  	v9 =	vadd.s32 v18, v9;
	[tilespmem:v16+s18+$0x0] =	vst.idx.add.f32.msk $0xffff, v1  }
0x121: {  	v63 =	vcvt.f32.s32 v21;
	v13 =	vadd.s32 v19, v13;
	[tilespmem:v6+s18+$0x0] =	vst.idx.add.f32.msk $0xffff, v1  }
0x122: {  	v11 =	vadd.s32 v17, v11;
	v6 =	vcvt.f32.s32 v22;
	[tilespmem:v5+s18+$0x0] =	vst.idx.add.f32.msk $0xffff, v1  }
0x123: {  	s22 =	sadd.s32 $0x1, s22;
	v5 =	vadd.s32 v63, v10;
	[tilespmem:v7+s18+$0x0] =	vst.idx.add.f32.msk $0xffff, v1  }
0x124: {  	p0 =	sne.s32 s22, $0x10;
	[tilespmem:v8+s18+$0x0] =	vst.idx.add.f32.msk $0xffff, v1;
	v6 =	vadd.s32 v6, v12  }
.Ltmp3:
0x125: {  	[tilespmem:v9+s18+$0x0] =	vst.idx.add.f32.msk $0xffff, v1;
	(pc) =	sbr.rel @p0 .LBB2_4-.Ltmp3, $4  }
0x126: {  	[tilespmem:v13+s18+$0x0] =	vst.idx.add.f32.msk $0xffff, v1  }
0x127: {  	[tilespmem:v11+s18+$0x0] =	vst.idx.add.f32.msk $0xffff, v1  }
0x128: {  	[tilespmem:v5+s18+$0x0] =	vst.idx.add.f32.msk $0xffff, v1  }
0x129: {  	[tilespmem:v6+s18+$0x0] =	vst.idx.add.f32.msk $0xffff, v1  }
0x12a: {  	_ =	swait.ge [sflag:s7], $0x1000  }
0x12b: {  	[sflag:s7] =	ssyncset.done $0x0  }
0x12c: {  	[sflag:s7] =	ssyncadd.s32 $0xFFFFF000  }
0x12d: {  	s20 =	sadd.s32 $0x1, s20;
	_ =	swait.ge [sflag:s7], $0x1000  }
0x12e: {  	p0 =	sne.s32 s20, s12;
	[sflag:s7] =	ssyncset.done $0x0  }
.Ltmp4:
0x12f: {  	s0 =	simm.s32 $0x0;
	[sflag:s7] =	ssyncadd.s32 $0xFFFFF000;
	(pc) =	sbr.rel @p0 .LBB2_1-.Ltmp4, $4  }
0x130: {  	[hbm4b:s11+s0] =	stream.linear.scatter [tilespmem:s18], [sflag:$0x3], $0x4000, $0x38;
	[tilespmem:$0x8080] =	vst v63  }
0x131: {  	_ =	swait.ge [sflag:s14], $0x4000  }
0x132: {  	[sflag:s14] =	ssyncset.done $0x0  }
0x133: {  	[sflag:s14] =	ssyncadd.s32 $0xFFFFC000  }
0x134: {  	_ =	sfence.sel $0x180000  }
0x135: {  	[bflag:$0x0] =	sbarrier.arrive $0xFFFF  }
0x136: {  	_ =	strace $0x90000047  }
0x137: {  	s0 =	stileid.u32;
	[bflag:$0x2] =	sbarrier.arrive $0xFFFF  }
0x138: {  	p0 =	sne.s32 s0, $0x0;
	s0 =	rddreg [dreg:$0x4]  }
0x139: {  	s0 =	sadd.s32 @!p0 $0x100000, s0  }
0x13a: {  	[sflag:s0] =	ssyncadd.tile.s32 @!p0 $0x1;
	_ =	shalt  }
.Lfunc_end2:
_tile_overlayer_lowered:
.L_overlay_start_2:
0x13b: {  	(tag) =	ssettag $0x2  }
0x13c: {  	s0 =	rddreg [dreg:$0x0];
	s2 =	stileid.u32  }
0x13d: {  	s1 =	rddreg [dreg:$0x1];
	p0 =	sne.s32 s2, $0x0  }
0x13e: {  	s3 =	rddreg [dreg:$0x2];
	[bflag:$0x3] =	sbarrier.arrive $0xFFFF;
	s2 =	simm.s32 @!p0 $0x1C03  }
0x13f: {  	[timem:s3], [sflag:s2] =	dma.local @!p0 [hbm:s0], s1  }
0x140: {  	s0 =	simm.s32 @!p0 $0x3  }
0x141: {  	_ =	swait.ge @!p0 [sflag:s0], s1  }
0x142: {  	s1 =	ssub.s32 @!p0 $0x0, s1;
	[sflag:s0] =	ssyncset.done @!p0 $0x0  }
0x143: {  	[sflag:s0] =	ssyncadd.s32 @!p0 s1  }
0x144: {  	[bflag:$0x3] =	sbarrier.arrive $0xFFFF  }
0x145: {  	_ =	shalt  }

</sc_bundles>
